<compile_context>
chip_gen: v7x
topology: tpu7x:2x2x1
jax: 0.10.2.dev20260603
libtpu: 0.0.44.dev20260713+nightly
codegen_flags: <defaults>
</compile_context>

<pallas_src>
import functools

import jax
import jax.numpy as jnp
from jax import lax
from jax.experimental import pallas as pl
from jax.experimental.pallas import tpu as pltpu
from jax.experimental.pallas import tpu_sc as plsc

B, C, H, W, M = 64, 8, 128, 128, 128
HW = H * W
CHW = C * HW
N = B * M
NT = 16
EPW = N // NT
VPW = EPW // 16
NCH = EPW // 128


@functools.partial(
    pl.kernel,
    mesh=plsc.VectorSubcoreMesh(core_axis_name="c", subcore_axis_name="s",
                                num_cores=1),
    out_type=[jax.ShapeDtypeStruct((16,), jnp.float32),
              jax.ShapeDtypeStruct((NT, 2, 16), jnp.float32)],
    scratch_types=[
        pltpu.VMEM((EPW,), jnp.int32),
        pltpu.VMEM((EPW,), jnp.int32),
        pltpu.VMEM((EPW,), jnp.float32),
        pltpu.VMEM((EPW,), jnp.float32),
        pltpu.VMEM((NCH, 128), jnp.int32),
        pltpu.VMEM((NCH, 128), jnp.float32),
        pltpu.VMEM((2, 16), jnp.float32),
        pltpu.VMEM((NT, 2, 16), jnp.float32),
        pltpu.VMEM((16,), jnp.float32),
        pltpu.SemaphoreType.DMA,
        pltpu.SemaphoreType.DMA,
        pltpu.SemaphoreType.DMA,
    ],
)
def _depth_loss(feat_hbm, ind_hbm, cat_hbm, tgt_hbm, msk_hbm,
                out_hbm, parts_hbm,
                ind_v, cat_v, tgt_v, msk_v, gidx_v, vals_v,
                part_v, allp_v, stage, sem_i, sem_f, sem_g):
    sid = lax.axis_index("s")
    base = sid * EPW
    cp_ind = pltpu.async_copy(ind_hbm.at[pl.ds(base, EPW)], ind_v, sem_i)
    cp_cat = pltpu.async_copy(cat_hbm.at[pl.ds(base, EPW)], cat_v, sem_i)
    cp_tgt = pltpu.async_copy(tgt_hbm.at[pl.ds(base, EPW)], tgt_v, sem_f)
    cp_msk = pltpu.async_copy(msk_hbm.at[pl.ds(base, EPW)], msk_v, sem_f)
    cp_ind.wait()
    cp_cat.wait()
    b0 = sid * (EPW // M)
    for v in range(VPW):
        g = (ind_v[pl.ds(v * 16, 16)]
             + cat_v[pl.ds(v * 16, 16)] * HW
             + (b0 + v // 8) * CHW)
        gidx_v[v // 8, pl.ds((v % 8) * 16, 16)] = g
    gathers = [
        pltpu.async_copy(feat_hbm.at[gidx_v.at[j]], vals_v.at[j], sem_g)
        for j in range(NCH)
    ]
    cp_tgt.wait()
    cp_msk.wait()
    mac = jnp.zeros((16,), jnp.float32)
    for v in range(VPW):
        mac = mac + msk_v[pl.ds(v * 16, 16)]
    part_v[1, :] = mac
    for cp in gathers:
        cp.wait()
    acc = jnp.zeros((16,), jnp.float32)
    for v in range(VPW):
        val = vals_v[v // 8, pl.ds((v % 8) * 16, 16)]
        m = msk_v[pl.ds(v * 16, 16)]
        t = tgt_v[pl.ds(v * 16, 16)]
        acc = acc + jnp.abs(val * m - t * m)
    part_v[0, :] = acc
    pltpu.sync_copy(part_v, parts_hbm.at[sid])
    plsc.subcore_barrier()

    @pl.when(sid == 0)
    def _():
        pltpu.sync_copy(parts_hbm, allp_v)
        facc = jnp.zeros((16,), jnp.float32)
        fmac = jnp.zeros((16,), jnp.float32)
        for i in range(NT):
            facc = facc + allp_v[i, 0, :]
            fmac = fmac + allp_v[i, 1, :]
        lanes = lax.iota(jnp.int32, 16)
        dnums = lax.GatherDimensionNumbers(
            offset_dims=(), collapsed_slice_dims=(0,),
            start_index_map=(0,))
        shuffle = lambda x, perm: lax.gather(
            x, perm[:, None], dnums, slice_sizes=(1,),
            mode=lax.GatherScatterMode.PROMISE_IN_BOUNDS)
        for k in (1, 2, 4, 8):
            perm = lanes ^ k
            facc = facc + shuffle(facc, perm)
            fmac = fmac + shuffle(fmac, perm)
        res = facc / (fmac + 1e-6)
        stage[...] = res
        pltpu.sync_copy(stage, out_hbm)


def kernel(output, target, ind, mask, cat):
    feat = output.reshape(-1)
    ind32 = ind.astype(jnp.int32).reshape(-1)
    cat32 = cat.astype(jnp.int32).reshape(-1)
    tgt = target.reshape(-1)
    msk = mask.reshape(-1)
    res, _ = _depth_loss(feat, ind32, cat32, tgt, msk)
    return res[0]

# --- scband reference (transcript-rebuilt; emitter-appended) ---
"""Pipeline reference for scband-depth-loss-55155970015599 (READ-ONLY COPY).

The authoritative reference and input builder live on the scoring server;
editing this copy changes nothing except your own understanding.
"""

import jax, jax.numpy as jnp
import numpy as np

B, C, H, W, M = 64, 8, 128, 128, 128

def setup_inputs(seed: int = 0) -> dict:
    key = jax.random.key(seed)
    k0, k1, k2, k3, k4 = jax.random.split(key, 5)
    output = jax.random.normal(k0, (B, C, H, W), dtype=jnp.float32)
    target = jax.random.uniform(k1, (B, M, 1), dtype=jnp.float32)
    ind = jax.random.randint(k2, (B, M), 0, H * W, dtype=jnp.int64)
    mask = jax.random.uniform(k3, (B, M, 1), dtype=jnp.float32)
    cat = jax.random.randint(k4, (B, M), 0, C, dtype=jnp.int64)
    return {"output": output, "target": target, "ind": ind, "mask": mask, "cat": cat}

def _transpose_and_gather_feat(feat, ind):
    b, c, h, w = feat.shape
    feat = jnp.transpose(feat, (0, 2, 3, 1)).reshape(b, h * w, c)
    # gather along spatial axis: (B, M, 1) indices broadcast over channel dim -> (B, M, C)
    return jnp.take_along_axis(feat, ind[:, :, None], axis=1)

def reference(output, target, ind, mask, cat):
    pred = _transpose_and_gather_feat(output, ind)  # B x M x C
    if pred.shape[2] > 1:
        pred = jnp.take_along_axis(pred, cat[:, :, None], axis=2)  # B x M x 1
    loss = jnp.sum(jnp.abs(pred * mask - target * mask))
    loss = loss / (jnp.sum(mask) + 1e-06)
    return loss

if __name__ == "__main__":
    import jax
    _d = setup_inputs()
    print(jax.jit(kernel)(*tuple(_d.values())))

</pallas_src>

<mosaic_0001>
#map = affine_map<(d0, d1) -> (0)>
#map1 = affine_map<(d0, d1) -> (0, 0, 0)>
module attributes {stable_mosaic.version = 14 : i64} {
  func.func @_depth_loss(%arg0: i32, %arg1: i32, %arg2: memref<8388608xf32, #tpu.memory_space<hbm>>, %arg3: memref<8192xi32, #tpu.memory_space<hbm>>, %arg4: memref<8192xi32, #tpu.memory_space<hbm>>, %arg5: memref<8192xf32, #tpu.memory_space<hbm>>, %arg6: memref<8192xf32, #tpu.memory_space<hbm>>, %arg7: memref<16xf32, #tpu.memory_space<hbm>>, %arg8: memref<16x2x16xf32, #tpu.memory_space<hbm>>, %arg9: memref<512xi32, #tpu.memory_space<vmem>>, %arg10: memref<512xi32, #tpu.memory_space<vmem>>, %arg11: memref<512xf32, #tpu.memory_space<vmem>>, %arg12: memref<512xf32, #tpu.memory_space<vmem>>, %arg13: memref<4x128xi32, #tpu.memory_space<vmem>>, %arg14: memref<4x128xf32, #tpu.memory_space<vmem>>, %arg15: memref<2x16xf32, #tpu.memory_space<vmem>>, %arg16: memref<16x2x16xf32, #tpu.memory_space<vmem>>, %arg17: memref<16xf32, #tpu.memory_space<vmem>>, %arg18: memref<!tpu.dma_semaphore, #tpu.memory_space<semaphore_mem>>, %arg19: memref<!tpu.dma_semaphore, #tpu.memory_space<semaphore_mem>>, %arg20: memref<!tpu.dma_semaphore, #tpu.memory_space<semaphore_mem>>) attributes {dimension_semantics = [#tpu.dimension_semantics<core_parallel>, #tpu.dimension_semantics<subcore_parallel>], iteration_bounds = array<i64: 1, 16>, scalar_prefetch = 0 : i64, scratch_operands = 12 : i64, tpu.core_type = #tpu.core_type<sc_vector_subcore>, window_params = [{transform_indices = #map}, {transform_indices = #map}, {transform_indices = #map}, {transform_indices = #map}, {transform_indices = #map}, {transform_indices = #map}, {transform_indices = #map1}]} {
    %mul3A = arith.constant 512 : i32
    %mul3A_0 = arith.muli %arg1, %mul3A : i32
    %dma_start3A = tpu.memref_slice %arg3[%mul3A_0] : memref<8192xi32, #tpu.memory_space<hbm>> -> memref<512xi32, #tpu.memory_space<hbm>>
    %dma_start3A_1 = tpu.memref_slice %arg3[%mul3A_0] : memref<8192xi32, #tpu.memory_space<hbm>> -> memref<512xi32, #tpu.memory_space<hbm>>
    tpu.enqueue_dma source(%dma_start3A_1 : memref<512xi32, #tpu.memory_space<hbm>>) target(%arg9 : memref<512xi32, #tpu.memory_space<vmem>>) target_semaphore(%arg18 : memref<!tpu.dma_semaphore, #tpu.memory_space<semaphore_mem>>)
    %dma_start3A_2 = tpu.memref_slice %arg4[%mul3A_0] : memref<8192xi32, #tpu.memory_space<hbm>> -> memref<512xi32, #tpu.memory_space<hbm>>
    %dma_start3A_3 = tpu.memref_slice %arg4[%mul3A_0] : memref<8192xi32, #tpu.memory_space<hbm>> -> memref<512xi32, #tpu.memory_space<hbm>>
    tpu.enqueue_dma source(%dma_start3A_3 : memref<512xi32, #tpu.memory_space<hbm>>) target(%arg10 : memref<512xi32, #tpu.memory_space<vmem>>) target_semaphore(%arg18 : memref<!tpu.dma_semaphore, #tpu.memory_space<semaphore_mem>>)
    %dma_start3A_4 = tpu.memref_slice %arg5[%mul3A_0] : memref<8192xf32, #tpu.memory_space<hbm>> -> memref<512xf32, #tpu.memory_space<hbm>>
    %dma_start3A_5 = tpu.memref_slice %arg5[%mul3A_0] : memref<8192xf32, #tpu.memory_space<hbm>> -> memref<512xf32, #tpu.memory_space<hbm>>
    tpu.enqueue_dma source(%dma_start3A_5 : memref<512xf32, #tpu.memory_space<hbm>>) target(%arg11 : memref<512xf32, #tpu.memory_space<vmem>>) target_semaphore(%arg19 : memref<!tpu.dma_semaphore, #tpu.memory_space<semaphore_mem>>)
    %dma_start3A_6 = tpu.memref_slice %arg6[%mul3A_0] : memref<8192xf32, #tpu.memory_space<hbm>> -> memref<512xf32, #tpu.memory_space<hbm>>
    %dma_start3A_7 = tpu.memref_slice %arg6[%mul3A_0] : memref<8192xf32, #tpu.memory_space<hbm>> -> memref<512xf32, #tpu.memory_space<hbm>>
    tpu.enqueue_dma source(%dma_start3A_7 : memref<512xf32, #tpu.memory_space<hbm>>) target(%arg12 : memref<512xf32, #tpu.memory_space<vmem>>) target_semaphore(%arg19 : memref<!tpu.dma_semaphore, #tpu.memory_space<semaphore_mem>>)
    %dma_wait3A = tpu.memref_slice %arg3[%mul3A_0] : memref<8192xi32, #tpu.memory_space<hbm>> -> memref<512xi32, #tpu.memory_space<hbm>>
    %dma_wait3A_8 = tpu.memref_slice %arg3[%mul3A_0] : memref<8192xi32, #tpu.memory_space<hbm>> -> memref<512xi32, #tpu.memory_space<hbm>>
    tpu.wait_dma2 semaphore(%arg18 : memref<!tpu.dma_semaphore, #tpu.memory_space<semaphore_mem>>) src(%dma_wait3A_8 : memref<512xi32, #tpu.memory_space<hbm>>) dst(%arg9 : memref<512xi32, #tpu.memory_space<vmem>>)
    %dma_wait3A_9 = tpu.memref_slice %arg4[%mul3A_0] : memref<8192xi32, #tpu.memory_space<hbm>> -> memref<512xi32, #tpu.memory_space<hbm>>
    %dma_wait3A_10 = tpu.memref_slice %arg4[%mul3A_0] : memref<8192xi32, #tpu.memory_space<hbm>> -> memref<512xi32, #tpu.memory_space<hbm>>
    tpu.wait_dma2 semaphore(%arg18 : memref<!tpu.dma_semaphore, #tpu.memory_space<semaphore_mem>>) src(%dma_wait3A_10 : memref<512xi32, #tpu.memory_space<hbm>>) dst(%arg10 : memref<512xi32, #tpu.memory_space<vmem>>)
    %mul3A_11 = arith.constant 4 : i32
    %mul3A_12 = arith.muli %arg1, %mul3A_11 : i32
    %get3A = arith.constant 0 : index
    %get3A_13 = tpu.vector_load %arg9[%get3A] {strides = array<i32>} : memref<512xi32, #tpu.memory_space<vmem>>, vector<16xi32>,
    %get3A_14 = vector.shape_cast %get3A_13 : vector<16xi32> to vector<16xi32>
    %get3A_15 = arith.constant 0 : index
    %get3A_16 = tpu.vector_load %arg10[%get3A_15] {strides = array<i32>} : memref<512xi32, #tpu.memory_space<vmem>>, vector<16xi32>,
    %get3A_17 = vector.shape_cast %get3A_16 : vector<16xi32> to vector<16xi32>
    %mul3A_18 = arith.constant 16384 : i32
    %mul3A_19 = vector.broadcast %mul3A_18 : i32 to vector<16xi32>
    %mul3A_20 = arith.muli %get3A_17, %mul3A_19 : vector<16xi32>
    %add3A = arith.addi %get3A_14, %mul3A_20 : vector<16xi32>
    %add3A_21 = arith.constant 0 : i32
    %add3A_22 = arith.addi %mul3A_12, %add3A_21 : i32
    %mul3A_23 = arith.constant 131072 : i32
    %mul3A_24 = arith.muli %add3A_22, %mul3A_23 : i32
    %add3A_25 = vector.broadcast %mul3A_24 : i32 to vector<16xi32>
    %add3A_26 = arith.addi %add3A, %add3A_25 : vector<16xi32>
    %swap3A = arith.constant 0 : i32
    %swap3A_27 = arith.index_cast %swap3A : i32 to index
    %swap3A_28 = arith.constant 0 : index
    %swap3A_29 = tpu.vector_load %arg13[%swap3A_27, %swap3A_28] {strides = array<i32>} : memref<4x128xi32, #tpu.memory_space<vmem>>, vector<1x16xi32>,
    %swap3A_30 = vector.shape_cast %swap3A_29 : vector<1x16xi32> to vector<16xi32>
    %swap3A_31 = vector.shape_cast %add3A_26 : vector<16xi32> to vector<1x16xi32>
    tpu.vector_store %arg13[%swap3A_27, %swap3A_28], %swap3A_31 {strides = array<i32>} : memref<4x128xi32, #tpu.memory_space<vmem>>, vector<1x16xi32>,
    %get3A_32 = arith.constant 16 : index
    %get3A_33 = tpu.vector_load %arg9[%get3A_32] {strides = array<i32>} : memref<512xi32, #tpu.memory_space<vmem>>, vector<16xi32>,
    %get3A_34 = vector.shape_cast %get3A_33 : vector<16xi32> to vector<16xi32>
    %get3A_35 = arith.constant 16 : index
    %get3A_36 = tpu.vector_load %arg10[%get3A_35] {strides = array<i32>} : memref<512xi32, #tpu.memory_space<vmem>>, vector<16xi32>,
    %get3A_37 = vector.shape_cast %get3A_36 : vector<16xi32> to vector<16xi32>
    %mul3A_38 = arith.constant 16384 : i32
    %mul3A_39 = vector.broadcast %mul3A_38 : i32 to vector<16xi32>
    %mul3A_40 = arith.muli %get3A_37, %mul3A_39 : vector<16xi32>
    %add3A_41 = arith.addi %get3A_34, %mul3A_40 : vector<16xi32>
    %add3A_42 = arith.constant 0 : i32
    %add3A_43 = arith.addi %mul3A_12, %add3A_42 : i32
    %mul3A_44 = arith.constant 131072 : i32
    %mul3A_45 = arith.muli %add3A_43, %mul3A_44 : i32
    %add3A_46 = vector.broadcast %mul3A_45 : i32 to vector<16xi32>
    %add3A_47 = arith.addi %add3A_41, %add3A_46 : vector<16xi32>
    %swap3A_48 = arith.constant 0 : i32
    %swap3A_49 = arith.index_cast %swap3A_48 : i32 to index
    %swap3A_50 = arith.constant 16 : index
    %swap3A_51 = tpu.vector_load %arg13[%swap3A_49, %swap3A_50] {strides = array<i32>} : memref<4x128xi32, #tpu.memory_space<vmem>>, vector<1x16xi32>,
    %swap3A_52 = vector.shape_cast %swap3A_51 : vector<1x16xi32> to vector<16xi32>
    %swap3A_53 = vector.shape_cast %add3A_47 : vector<16xi32> to vector<1x16xi32>
    tpu.vector_store %arg13[%swap3A_49, %swap3A_50], %swap3A_53 {strides = array<i32>} : memref<4x128xi32, #tpu.memory_space<vmem>>, vector<1x16xi32>,
    %get3A_54 = arith.constant 32 : index
    %get3A_55 = tpu.vector_load %arg9[%get3A_54] {strides = array<i32>} : memref<512xi32, #tpu.memory_space<vmem>>, vector<16xi32>,
    %get3A_56 = vector.shape_cast %get3A_55 : vector<16xi32> to vector<16xi32>
    %get3A_57 = arith.constant 32 : index
    %get3A_58 = tpu.vector_load %arg10[%get3A_57] {strides = array<i32>} : memref<512xi32, #tpu.memory_space<vmem>>, vector<16xi32>,
    %get3A_59 = vector.shape_cast %get3A_58 : vector<16xi32> to vector<16xi32>
    %mul3A_60 = arith.constant 16384 : i32
    %mul3A_61 = vector.broadcast %mul3A_60 : i32 to vector<16xi32>
    %mul3A_62 = arith.muli %get3A_59, %mul3A_61 : vector<16xi32>
    %add3A_63 = arith.addi %get3A_56, %mul3A_62 : vector<16xi32>
    %add3A_64 = arith.constant 0 : i32
    %add3A_65 = arith.addi %mul3A_12, %add3A_64 : i32
    %mul3A_66 = arith.constant 131072 : i32
    %mul3A_67 = arith.muli %add3A_65, %mul3A_66 : i32
    %add3A_68 = vector.broadcast %mul3A_67 : i32 to vector<16xi32>
    %add3A_69 = arith.addi %add3A_63, %add3A_68 : vector<16xi32>
    %swap3A_70 = arith.constant 0 : i32
    %swap3A_71 = arith.index_cast %swap3A_70 : i32 to index
    %swap3A_72 = arith.constant 32 : index
    %swap3A_73 = tpu.vector_load %arg13[%swap3A_71, %swap3A_72] {strides = array<i32>} : memref<4x128xi32, #tpu.memory_space<vmem>>, vector<1x16xi32>,
    %swap3A_74 = vector.shape_cast %swap3A_73 : vector<1x16xi32> to vector<16xi32>
    %swap3A_75 = vector.shape_cast %add3A_69 : vector<16xi32> to vector<1x16xi32>
    tpu.vector_store %arg13[%swap3A_71, %swap3A_72], %swap3A_75 {strides = array<i32>} : memref<4x128xi32, #tpu.memory_space<vmem>>, vector<1x16xi32>,
    %get3A_76 = arith.constant 48 : index
    %get3A_77 = tpu.vector_load %arg9[%get3A_76] {strides = array<i32>} : memref<512xi32, #tpu.memory_space<vmem>>, vector<16xi32>,
    %get3A_78 = vector.shape_cast %get3A_77 : vector<16xi32> to vector<16xi32>
    %get3A_79 = arith.constant 48 : index
    %get3A_80 = tpu.vector_load %arg10[%get3A_79] {strides = array<i32>} : memref<512xi32, #tpu.memory_space<vmem>>, vector<16xi32>,
    %get3A_81 = vector.shape_cast %get3A_80 : vector<16xi32> to vector<16xi32>
    %mul3A_82 = arith.constant 16384 : i32
    %mul3A_83 = vector.broadcast %mul3A_82 : i32 to vector<16xi32>
    %mul3A_84 = arith.muli %get3A_81, %mul3A_83 : vector<16xi32>
    %add3A_85 = arith.addi %get3A_78, %mul3A_84 : vector<16xi32>
    %add3A_86 = arith.constant 0 : i32
    %add3A_87 = arith.addi %mul3A_12, %add3A_86 : i32
    %mul3A_88 = arith.constant 131072 : i32
    %mul3A_89 = arith.muli %add3A_87, %mul3A_88 : i32
    %add3A_90 = vector.broadcast %mul3A_89 : i32 to vector<16xi32>
    %add3A_91 = arith.addi %add3A_85, %add3A_90 : vector<16xi32>
    %swap3A_92 = arith.constant 0 : i32
    %swap3A_93 = arith.index_cast %swap3A_92 : i32 to index
    %swap3A_94 = arith.constant 48 : index
    %swap3A_95 = tpu.vector_load %arg13[%swap3A_93, %swap3A_94] {strides = array<i32>} : memref<4x128xi32, #tpu.memory_space<vmem>>, vector<1x16xi32>,
    %swap3A_96 = vector.shape_cast %swap3A_95 : vector<1x16xi32> to vector<16xi32>
    %swap3A_97 = vector.shape_cast %add3A_91 : vector<16xi32> to vector<1x16xi32>
    tpu.vector_store %arg13[%swap3A_93, %swap3A_94], %swap3A_97 {strides = array<i32>} : memref<4x128xi32, #tpu.memory_space<vmem>>, vector<1x16xi32>,
    %get3A_98 = arith.constant 64 : index
    %get3A_99 = tpu.vector_load %arg9[%get3A_98] {strides = array<i32>} : memref<512xi32, #tpu.memory_space<vmem>>, vector<16xi32>,
    %get3A_100 = vector.shape_cast %get3A_99 : vector<16xi32> to vector<16xi32>
    %get3A_101 = arith.constant 64 : index
    %get3A_102 = tpu.vector_load %arg10[%get3A_101] {strides = array<i32>} : memref<512xi32, #tpu.memory_space<vmem>>, vector<16xi32>,
    %get3A_103 = vector.shape_cast %get3A_102 : vector<16xi32> to vector<16xi32>
    %mul3A_104 = arith.constant 16384 : i32
    %mul3A_105 = vector.broadcast %mul3A_104 : i32 to vector<16xi32>
    %mul3A_106 = arith.muli %get3A_103, %mul3A_105 : vector<16xi32>
    %add3A_107 = arith.addi %get3A_100, %mul3A_106 : vector<16xi32>
    %add3A_108 = arith.constant 0 : i32
    %add3A_109 = arith.addi %mul3A_12, %add3A_108 : i32
    %mul3A_110 = arith.constant 131072 : i32
    %mul3A_111 = arith.muli %add3A_109, %mul3A_110 : i32
    %add3A_112 = vector.broadcast %mul3A_111 : i32 to vector<16xi32>
    %add3A_113 = arith.addi %add3A_107, %add3A_112 : vector<16xi32>
    %swap3A_114 = arith.constant 0 : i32
    %swap3A_115 = arith.index_cast %swap3A_114 : i32 to index
    %swap3A_116 = arith.constant 64 : index
    %swap3A_117 = tpu.vector_load %arg13[%swap3A_115, %swap3A_116] {strides = array<i32>} : memref<4x128xi32, #tpu.memory_space<vmem>>, vector<1x16xi32>,
    %swap3A_118 = vector.shape_cast %swap3A_117 : vector<1x16xi32> to vector<16xi32>
    %swap3A_119 = vector.shape_cast %add3A_113 : vector<16xi32> to vector<1x16xi32>
    tpu.vector_store %arg13[%swap3A_115, %swap3A_116], %swap3A_119 {strides = array<i32>} : memref<4x128xi32, #tpu.memory_space<vmem>>, vector<1x16xi32>,
    %get3A_120 = arith.constant 80 : index
    %get3A_121 = tpu.vector_load %arg9[%get3A_120] {strides = array<i32>} : memref<512xi32, #tpu.memory_space<vmem>>, vector<16xi32>,
    %get3A_122 = vector.shape_cast %get3A_121 : vector<16xi32> to vector<16xi32>
    %get3A_123 = arith.constant 80 : index
    %get3A_124 = tpu.vector_load %arg10[%get3A_123] {strides = array<i32>} : memref<512xi32, #tpu.memory_space<vmem>>, vector<16xi32>,
    %get3A_125 = vector.shape_cast %get3A_124 : vector<16xi32> to vector<16xi32>
    %mul3A_126 = arith.constant 16384 : i32
    %mul3A_127 = vector.broadcast %mul3A_126 : i32 to vector<16xi32>
    %mul3A_128 = arith.muli %get3A_125, %mul3A_127 : vector<16xi32>
    %add3A_129 = arith.addi %get3A_122, %mul3A_128 : vector<16xi32>
    %add3A_130 = arith.constant 0 : i32
    %add3A_131 = arith.addi %mul3A_12, %add3A_130 : i32
    %mul3A_132 = arith.constant 131072 : i32
    %mul3A_133 = arith.muli %add3A_131, %mul3A_132 : i32
    %add3A_134 = vector.broadcast %mul3A_133 : i32 to vector<16xi32>
    %add3A_135 = arith.addi %add3A_129, %add3A_134 : vector<16xi32>
    %swap3A_136 = arith.constant 0 : i32
    %swap3A_137 = arith.index_cast %swap3A_136 : i32 to index
    %swap3A_138 = arith.constant 80 : index
    %swap3A_139 = tpu.vector_load %arg13[%swap3A_137, %swap3A_138] {strides = array<i32>} : memref<4x128xi32, #tpu.memory_space<vmem>>, vector<1x16xi32>,
    %swap3A_140 = vector.shape_cast %swap3A_139 : vector<1x16xi32> to vector<16xi32>
    %swap3A_141 = vector.shape_cast %add3A_135 : vector<16xi32> to vector<1x16xi32>
    tpu.vector_store %arg13[%swap3A_137, %swap3A_138], %swap3A_141 {strides = array<i32>} : memref<4x128xi32, #tpu.memory_space<vmem>>, vector<1x16xi32>,
    %get3A_142 = arith.constant 96 : index
    %get3A_143 = tpu.vector_load %arg9[%get3A_142] {strides = array<i32>} : memref<512xi32, #tpu.memory_space<vmem>>, vector<16xi32>,
    %get3A_144 = vector.shape_cast %get3A_143 : vector<16xi32> to vector<16xi32>
    %get3A_145 = arith.constant 96 : index
    %get3A_146 = tpu.vector_load %arg10[%get3A_145] {strides = array<i32>} : memref<512xi32, #tpu.memory_space<vmem>>, vector<16xi32>,
    %get3A_147 = vector.shape_cast %get3A_146 : vector<16xi32> to vector<16xi32>
    %mul3A_148 = arith.constant 16384 : i32
    %mul3A_149 = vector.broadcast %mul3A_148 : i32 to vector<16xi32>
    %mul3A_150 = arith.muli %get3A_147, %mul3A_149 : vector<16xi32>
    %add3A_151 = arith.addi %get3A_144, %mul3A_150 : vector<16xi32>
    %add3A_152 = arith.constant 0 : i32
    %add3A_153 = arith.addi %mul3A_12, %add3A_152 : i32
    %mul3A_154 = arith.constant 131072 : i32
    %mul3A_155 = arith.muli %add3A_153, %mul3A_154 : i32
    %add3A_156 = vector.broadcast %mul3A_155 : i32 to vector<16xi32>
    %add3A_157 = arith.addi %add3A_151, %add3A_156 : vector<16xi32>
    %swap3A_158 = arith.constant 0 : i32
    %swap3A_159 = arith.index_cast %swap3A_158 : i32 to index
    %swap3A_160 = arith.constant 96 : index
    %swap3A_161 = tpu.vector_load %arg13[%swap3A_159, %swap3A_160] {strides = array<i32>} : memref<4x128xi32, #tpu.memory_space<vmem>>, vector<1x16xi32>,
    %swap3A_162 = vector.shape_cast %swap3A_161 : vector<1x16xi32> to vector<16xi32>
    %swap3A_163 = vector.shape_cast %add3A_157 : vector<16xi32> to vector<1x16xi32>
    tpu.vector_store %arg13[%swap3A_159, %swap3A_160], %swap3A_163 {strides = array<i32>} : memref<4x128xi32, #tpu.memory_space<vmem>>, vector<1x16xi32>,
    %get3A_164 = arith.constant 112 : index
    %get3A_165 = tpu.vector_load %arg9[%get3A_164] {strides = array<i32>} : memref<512xi32, #tpu.memory_space<vmem>>, vector<16xi32>,
    %get3A_166 = vector.shape_cast %get3A_165 : vector<16xi32> to vector<16xi32>
    %get3A_167 = arith.constant 112 : index
    %get3A_168 = tpu.vector_load %arg10[%get3A_167] {strides = array<i32>} : memref<512xi32, #tpu.memory_space<vmem>>, vector<16xi32>,
    %get3A_169 = vector.shape_cast %get3A_168 : vector<16xi32> to vector<16xi32>
    %mul3A_170 = arith.constant 16384 : i32
    %mul3A_171 = vector.broadcast %mul3A_170 : i32 to vector<16xi32>
    %mul3A_172 = arith.muli %get3A_169, %mul3A_171 : vector<16xi32>
    %add3A_173 = arith.addi %get3A_166, %mul3A_172 : vector<16xi32>
    %add3A_174 = arith.constant 0 : i32
    %add3A_175 = arith.addi %mul3A_12, %add3A_174 : i32
    %mul3A_176 = arith.constant 131072 : i32
    %mul3A_177 = arith.muli %add3A_175, %mul3A_176 : i32
    %add3A_178 = vector.broadcast %mul3A_177 : i32 to vector<16xi32>
    %add3A_179 = arith.addi %add3A_173, %add3A_178 : vector<16xi32>
    %swap3A_180 = arith.constant 0 : i32
    %swap3A_181 = arith.index_cast %swap3A_180 : i32 to index
    %swap3A_182 = arith.constant 112 : index
    %swap3A_183 = tpu.vector_load %arg13[%swap3A_181, %swap3A_182] {strides = array<i32>} : memref<4x128xi32, #tpu.memory_space<vmem>>, vector<1x16xi32>,
    %swap3A_184 = vector.shape_cast %swap3A_183 : vector<1x16xi32> to vector<16xi32>
    %swap3A_185 = vector.shape_cast %add3A_179 : vector<16xi32> to vector<1x16xi32>
    tpu.vector_store %arg13[%swap3A_181, %swap3A_182], %swap3A_185 {strides = array<i32>} : memref<4x128xi32, #tpu.memory_space<vmem>>, vector<1x16xi32>,
    %get3A_186 = arith.constant 128 : index
    %get3A_187 = tpu.vector_load %arg9[%get3A_186] {strides = array<i32>} : memref<512xi32, #tpu.memory_space<vmem>>, vector<16xi32>,
    %get3A_188 = vector.shape_cast %get3A_187 : vector<16xi32> to vector<16xi32>
    %get3A_189 = arith.constant 128 : index
    %get3A_190 = tpu.vector_load %arg10[%get3A_189] {strides = array<i32>} : memref<512xi32, #tpu.memory_space<vmem>>, vector<16xi32>,
    %get3A_191 = vector.shape_cast %get3A_190 : vector<16xi32> to vector<16xi32>
    %mul3A_192 = arith.constant 16384 : i32
    %mul3A_193 = vector.broadcast %mul3A_192 : i32 to vector<16xi32>
    %mul3A_194 = arith.muli %get3A_191, %mul3A_193 : vector<16xi32>
    %add3A_195 = arith.addi %get3A_188, %mul3A_194 : vector<16xi32>
    %add3A_196 = arith.constant 1 : i32
    %add3A_197 = arith.addi %mul3A_12, %add3A_196 : i32
    %mul3A_198 = arith.constant 131072 : i32
    %mul3A_199 = arith.muli %add3A_197, %mul3A_198 : i32
    %add3A_200 = vector.broadcast %mul3A_199 : i32 to vector<16xi32>
    %add3A_201 = arith.addi %add3A_195, %add3A_200 : vector<16xi32>
    %swap3A_202 = arith.constant 1 : i32
    %swap3A_203 = arith.index_cast %swap3A_202 : i32 to index
    %swap3A_204 = arith.constant 0 : index
    %swap3A_205 = tpu.vector_load %arg13[%swap3A_203, %swap3A_204] {strides = array<i32>} : memref<4x128xi32, #tpu.memory_space<vmem>>, vector<1x16xi32>,
    %swap3A_206 = vector.shape_cast %swap3A_205 : vector<1x16xi32> to vector<16xi32>
    %swap3A_207 = vector.shape_cast %add3A_201 : vector<16xi32> to vector<1x16xi32>
    tpu.vector_store %arg13[%swap3A_203, %swap3A_204], %swap3A_207 {strides = array<i32>} : memref<4x128xi32, #tpu.memory_space<vmem>>, vector<1x16xi32>,
    %get3A_208 = arith.constant 144 : index
    %get3A_209 = tpu.vector_load %arg9[%get3A_208] {strides = array<i32>} : memref<512xi32, #tpu.memory_space<vmem>>, vector<16xi32>,
    %get3A_210 = vector.shape_cast %get3A_209 : vector<16xi32> to vector<16xi32>
    %get3A_211 = arith.constant 144 : index
    %get3A_212 = tpu.vector_load %arg10[%get3A_211] {strides = array<i32>} : memref<512xi32, #tpu.memory_space<vmem>>, vector<16xi32>,
    %get3A_213 = vector.shape_cast %get3A_212 : vector<16xi32> to vector<16xi32>
    %mul3A_214 = arith.constant 16384 : i32
    %mul3A_215 = vector.broadcast %mul3A_214 : i32 to vector<16xi32>
    %mul3A_216 = arith.muli %get3A_213, %mul3A_215 : vector<16xi32>
    %add3A_217 = arith.addi %get3A_210, %mul3A_216 : vector<16xi32>
    %add3A_218 = arith.constant 1 : i32
    %add3A_219 = arith.addi %mul3A_12, %add3A_218 : i32
    %mul3A_220 = arith.constant 131072 : i32
    %mul3A_221 = arith.muli %add3A_219, %mul3A_220 : i32
    %add3A_222 = vector.broadcast %mul3A_221 : i32 to vector<16xi32>
    %add3A_223 = arith.addi %add3A_217, %add3A_222 : vector<16xi32>
    %swap3A_224 = arith.constant 1 : i32
    %swap3A_225 = arith.index_cast %swap3A_224 : i32 to index
    %swap3A_226 = arith.constant 16 : index
    %swap3A_227 = tpu.vector_load %arg13[%swap3A_225, %swap3A_226] {strides = array<i32>} : memref<4x128xi32, #tpu.memory_space<vmem>>, vector<1x16xi32>,
    %swap3A_228 = vector.shape_cast %swap3A_227 : vector<1x16xi32> to vector<16xi32>
    %swap3A_229 = vector.shape_cast %add3A_223 : vector<16xi32> to vector<1x16xi32>
    tpu.vector_store %arg13[%swap3A_225, %swap3A_226], %swap3A_229 {strides = array<i32>} : memref<4x128xi32, #tpu.memory_space<vmem>>, vector<1x16xi32>,
    %get3A_230 = arith.constant 160 : index
    %get3A_231 = tpu.vector_load %arg9[%get3A_230] {strides = array<i32>} : memref<512xi32, #tpu.memory_space<vmem>>, vector<16xi32>,
    %get3A_232 = vector.shape_cast %get3A_231 : vector<16xi32> to vector<16xi32>
    %get3A_233 = arith.constant 160 : index
    %get3A_234 = tpu.vector_load %arg10[%get3A_233] {strides = array<i32>} : memref<512xi32, #tpu.memory_space<vmem>>, vector<16xi32>,
    %get3A_235 = vector.shape_cast %get3A_234 : vector<16xi32> to vector<16xi32>
    %mul3A_236 = arith.constant 16384 : i32
    %mul3A_237 = vector.broadcast %mul3A_236 : i32 to vector<16xi32>
    %mul3A_238 = arith.muli %get3A_235, %mul3A_237 : vector<16xi32>
    %add3A_239 = arith.addi %get3A_232, %mul3A_238 : vector<16xi32>
    %add3A_240 = arith.constant 1 : i32
    %add3A_241 = arith.addi %mul3A_12, %add3A_240 : i32
    %mul3A_242 = arith.constant 131072 : i32
    %mul3A_243 = arith.muli %add3A_241, %mul3A_242 : i32
    %add3A_244 = vector.broadcast %mul3A_243 : i32 to vector<16xi32>
    %add3A_245 = arith.addi %add3A_239, %add3A_244 : vector<16xi32>
    %swap3A_246 = arith.constant 1 : i32
    %swap3A_247 = arith.index_cast %swap3A_246 : i32 to index
    %swap3A_248 = arith.constant 32 : index
    %swap3A_249 = tpu.vector_load %arg13[%swap3A_247, %swap3A_248] {strides = array<i32>} : memref<4x128xi32, #tpu.memory_space<vmem>>, vector<1x16xi32>,
    %swap3A_250 = vector.shape_cast %swap3A_249 : vector<1x16xi32> to vector<16xi32>
    %swap3A_251 = vector.shape_cast %add3A_245 : vector<16xi32> to vector<1x16xi32>
    tpu.vector_store %arg13[%swap3A_247, %swap3A_248], %swap3A_251 {strides = array<i32>} : memref<4x128xi32, #tpu.memory_space<vmem>>, vector<1x16xi32>,
    %get3A_252 = arith.constant 176 : index
    %get3A_253 = tpu.vector_load %arg9[%get3A_252] {strides = array<i32>} : memref<512xi32, #tpu.memory_space<vmem>>, vector<16xi32>,
    %get3A_254 = vector.shape_cast %get3A_253 : vector<16xi32> to vector<16xi32>
    %get3A_255 = arith.constant 176 : index
    %get3A_256 = tpu.vector_load %arg10[%get3A_255] {strides = array<i32>} : memref<512xi32, #tpu.memory_space<vmem>>, vector<16xi32>,
    %get3A_257 = vector.shape_cast %get3A_256 : vector<16xi32> to vector<16xi32>
    %mul3A_258 = arith.constant 16384 : i32
    %mul3A_259 = vector.broadcast %mul3A_258 : i32 to vector<16xi32>
    %mul3A_260 = arith.muli %get3A_257, %mul3A_259 : vector<16xi32>
    %add3A_261 = arith.addi %get3A_254, %mul3A_260 : vector<16xi32>
    %add3A_262 = arith.constant 1 : i32
    %add3A_263 = arith.addi %mul3A_12, %add3A_262 : i32
    %mul3A_264 = arith.constant 131072 : i32
    %mul3A_265 = arith.muli %add3A_263, %mul3A_264 : i32
    %add3A_266 = vector.broadcast %mul3A_265 : i32 to vector<16xi32>
    %add3A_267 = arith.addi %add3A_261, %add3A_266 : vector<16xi32>
    %swap3A_268 = arith.constant 1 : i32
    %swap3A_269 = arith.index_cast %swap3A_268 : i32 to index
    %swap3A_270 = arith.constant 48 : index
    %swap3A_271 = tpu.vector_load %arg13[%swap3A_269, %swap3A_270] {strides = array<i32>} : memref<4x128xi32, #tpu.memory_space<vmem>>, vector<1x16xi32>,
    %swap3A_272 = vector.shape_cast %swap3A_271 : vector<1x16xi32> to vector<16xi32>
    %swap3A_273 = vector.shape_cast %add3A_267 : vector<16xi32> to vector<1x16xi32>
    tpu.vector_store %arg13[%swap3A_269, %swap3A_270], %swap3A_273 {strides = array<i32>} : memref<4x128xi32, #tpu.memory_space<vmem>>, vector<1x16xi32>,
    %get3A_274 = arith.constant 192 : index
    %get3A_275 = tpu.vector_load %arg9[%get3A_274] {strides = array<i32>} : memref<512xi32, #tpu.memory_space<vmem>>, vector<16xi32>,
    %get3A_276 = vector.shape_cast %get3A_275 : vector<16xi32> to vector<16xi32>
    %get3A_277 = arith.constant 192 : index
    %get3A_278 = tpu.vector_load %arg10[%get3A_277] {strides = array<i32>} : memref<512xi32, #tpu.memory_space<vmem>>, vector<16xi32>,
    %get3A_279 = vector.shape_cast %get3A_278 : vector<16xi32> to vector<16xi32>
    %mul3A_280 = arith.constant 16384 : i32
    %mul3A_281 = vector.broadcast %mul3A_280 : i32 to vector<16xi32>
    %mul3A_282 = arith.muli %get3A_279, %mul3A_281 : vector<16xi32>
    %add3A_283 = arith.addi %get3A_276, %mul3A_282 : vector<16xi32>
    %add3A_284 = arith.constant 1 : i32
    %add3A_285 = arith.addi %mul3A_12, %add3A_284 : i32
    %mul3A_286 = arith.constant 131072 : i32
    %mul3A_287 = arith.muli %add3A_285, %mul3A_286 : i32
    %add3A_288 = vector.broadcast %mul3A_287 : i32 to vector<16xi32>
    %add3A_289 = arith.addi %add3A_283, %add3A_288 : vector<16xi32>
    %swap3A_290 = arith.constant 1 : i32
    %swap3A_291 = arith.index_cast %swap3A_290 : i32 to index
    %swap3A_292 = arith.constant 64 : index
    %swap3A_293 = tpu.vector_load %arg13[%swap3A_291, %swap3A_292] {strides = array<i32>} : memref<4x128xi32, #tpu.memory_space<vmem>>, vector<1x16xi32>,
    %swap3A_294 = vector.shape_cast %swap3A_293 : vector<1x16xi32> to vector<16xi32>
    %swap3A_295 = vector.shape_cast %add3A_289 : vector<16xi32> to vector<1x16xi32>
    tpu.vector_store %arg13[%swap3A_291, %swap3A_292], %swap3A_295 {strides = array<i32>} : memref<4x128xi32, #tpu.memory_space<vmem>>, vector<1x16xi32>,
    %get3A_296 = arith.constant 208 : index
    %get3A_297 = tpu.vector_load %arg9[%get3A_296] {strides = array<i32>} : memref<512xi32, #tpu.memory_space<vmem>>, vector<16xi32>,
    %get3A_298 = vector.shape_cast %get3A_297 : vector<16xi32> to vector<16xi32>
    %get3A_299 = arith.constant 208 : index
    %get3A_300 = tpu.vector_load %arg10[%get3A_299] {strides = array<i32>} : memref<512xi32, #tpu.memory_space<vmem>>, vector<16xi32>,
    %get3A_301 = vector.shape_cast %get3A_300 : vector<16xi32> to vector<16xi32>
    %mul3A_302 = arith.constant 16384 : i32
    %mul3A_303 = vector.broadcast %mul3A_302 : i32 to vector<16xi32>
    %mul3A_304 = arith.muli %get3A_301, %mul3A_303 : vector<16xi32>
    %add3A_305 = arith.addi %get3A_298, %mul3A_304 : vector<16xi32>
    %add3A_306 = arith.constant 1 : i32
    %add3A_307 = arith.addi %mul3A_12, %add3A_306 : i32
    %mul3A_308 = arith.constant 131072 : i32
    %mul3A_309 = arith.muli %add3A_307, %mul3A_308 : i32
    %add3A_310 = vector.broadcast %mul3A_309 : i32 to vector<16xi32>
    %add3A_311 = arith.addi %add3A_305, %add3A_310 : vector<16xi32>
    %swap3A_312 = arith.constant 1 : i32
    %swap3A_313 = arith.index_cast %swap3A_312 : i32 to index
    %swap3A_314 = arith.constant 80 : index
    %swap3A_315 = tpu.vector_load %arg13[%swap3A_313, %swap3A_314] {strides = array<i32>} : memref<4x128xi32, #tpu.memory_space<vmem>>, vector<1x16xi32>,
    %swap3A_316 = vector.shape_cast %swap3A_315 : vector<1x16xi32> to vector<16xi32>
    %swap3A_317 = vector.shape_cast %add3A_311 : vector<16xi32> to vector<1x16xi32>
    tpu.vector_store %arg13[%swap3A_313, %swap3A_314], %swap3A_317 {strides = array<i32>} : memref<4x128xi32, #tpu.memory_space<vmem>>, vector<1x16xi32>,
    %get3A_318 = arith.constant 224 : index
    %get3A_319 = tpu.vector_load %arg9[%get3A_318] {strides = array<i32>} : memref<512xi32, #tpu.memory_space<vmem>>, vector<16xi32>,
    %get3A_320 = vector.shape_cast %get3A_319 : vector<16xi32> to vector<16xi32>
    %get3A_321 = arith.constant 224 : index
    %get3A_322 = tpu.vector_load %arg10[%get3A_321] {strides = array<i32>} : memref<512xi32, #tpu.memory_space<vmem>>, vector<16xi32>,
    %get3A_323 = vector.shape_cast %get3A_322 : vector<16xi32> to vector<16xi32>
    %mul3A_324 = arith.constant 16384 : i32
    %mul3A_325 = vector.broadcast %mul3A_324 : i32 to vector<16xi32>
    %mul3A_326 = arith.muli %get3A_323, %mul3A_325 : vector<16xi32>
    %add3A_327 = arith.addi %get3A_320, %mul3A_326 : vector<16xi32>
    %add3A_328 = arith.constant 1 : i32
    %add3A_329 = arith.addi %mul3A_12, %add3A_328 : i32
    %mul3A_330 = arith.constant 131072 : i32
    %mul3A_331 = arith.muli %add3A_329, %mul3A_330 : i32
    %add3A_332 = vector.broadcast %mul3A_331 : i32 to vector<16xi32>
    %add3A_333 = arith.addi %add3A_327, %add3A_332 : vector<16xi32>
    %swap3A_334 = arith.constant 1 : i32
    %swap3A_335 = arith.index_cast %swap3A_334 : i32 to index
    %swap3A_336 = arith.constant 96 : index
    %swap3A_337 = tpu.vector_load %arg13[%swap3A_335, %swap3A_336] {strides = array<i32>} : memref<4x128xi32, #tpu.memory_space<vmem>>, vector<1x16xi32>,
    %swap3A_338 = vector.shape_cast %swap3A_337 : vector<1x16xi32> to vector<16xi32>
    %swap3A_339 = vector.shape_cast %add3A_333 : vector<16xi32> to vector<1x16xi32>
    tpu.vector_store %arg13[%swap3A_335, %swap3A_336], %swap3A_339 {strides = array<i32>} : memref<4x128xi32, #tpu.memory_space<vmem>>, vector<1x16xi32>,
    %get3A_340 = arith.constant 240 : index
    %get3A_341 = tpu.vector_load %arg9[%get3A_340] {strides = array<i32>} : memref<512xi32, #tpu.memory_space<vmem>>, vector<16xi32>,
    %get3A_342 = vector.shape_cast %get3A_341 : vector<16xi32> to vector<16xi32>
    %get3A_343 = arith.constant 240 : index
    %get3A_344 = tpu.vector_load %arg10[%get3A_343] {strides = array<i32>} : memref<512xi32, #tpu.memory_space<vmem>>, vector<16xi32>,
    %get3A_345 = vector.shape_cast %get3A_344 : vector<16xi32> to vector<16xi32>
    %mul3A_346 = arith.constant 16384 : i32
    %mul3A_347 = vector.broadcast %mul3A_346 : i32 to vector<16xi32>
    %mul3A_348 = arith.muli %get3A_345, %mul3A_347 : vector<16xi32>
    %add3A_349 = arith.addi %get3A_342, %mul3A_348 : vector<16xi32>
    %add3A_350 = arith.constant 1 : i32
    %add3A_351 = arith.addi %mul3A_12, %add3A_350 : i32
    %mul3A_352 = arith.constant 131072 : i32
    %mul3A_353 = arith.muli %add3A_351, %mul3A_352 : i32
    %add3A_354 = vector.broadcast %mul3A_353 : i32 to vector<16xi32>
    %add3A_355 = arith.addi %add3A_349, %add3A_354 : vector<16xi32>
    %swap3A_356 = arith.constant 1 : i32
    %swap3A_357 = arith.index_cast %swap3A_356 : i32 to index
    %swap3A_358 = arith.constant 112 : index
    %swap3A_359 = tpu.vector_load %arg13[%swap3A_357, %swap3A_358] {strides = array<i32>} : memref<4x128xi32, #tpu.memory_space<vmem>>, vector<1x16xi32>,
    %swap3A_360 = vector.shape_cast %swap3A_359 : vector<1x16xi32> to vector<16xi32>
    %swap3A_361 = vector.shape_cast %add3A_355 : vector<16xi32> to vector<1x16xi32>
    tpu.vector_store %arg13[%swap3A_357, %swap3A_358], %swap3A_361 {strides = array<i32>} : memref<4x128xi32, #tpu.memory_space<vmem>>, vector<1x16xi32>,
    %get3A_362 = arith.constant 256 : index
    %get3A_363 = tpu.vector_load %arg9[%get3A_362] {strides = array<i32>} : memref<512xi32, #tpu.memory_space<vmem>>, vector<16xi32>,
    %get3A_364 = vector.shape_cast %get3A_363 : vector<16xi32> to vector<16xi32>
    %get3A_365 = arith.constant 256 : index
    %get3A_366 = tpu.vector_load %arg10[%get3A_365] {strides = array<i32>} : memref<512xi32, #tpu.memory_space<vmem>>, vector<16xi32>,
    %get3A_367 = vector.shape_cast %get3A_366 : vector<16xi32> to vector<16xi32>
    %mul3A_368 = arith.constant 16384 : i32
    %mul3A_369 = vector.broadcast %mul3A_368 : i32 to vector<16xi32>
    %mul3A_370 = arith.muli %get3A_367, %mul3A_369 : vector<16xi32>
    %add3A_371 = arith.addi %get3A_364, %mul3A_370 : vector<16xi32>
    %add3A_372 = arith.constant 2 : i32
    %add3A_373 = arith.addi %mul3A_12, %add3A_372 : i32
    %mul3A_374 = arith.constant 131072 : i32
    %mul3A_375 = arith.muli %add3A_373, %mul3A_374 : i32
    %add3A_376 = vector.broadcast %mul3A_375 : i32 to vector<16xi32>
    %add3A_377 = arith.addi %add3A_371, %add3A_376 : vector<16xi32>
    %swap3A_378 = arith.constant 2 : i32
    %swap3A_379 = arith.index_cast %swap3A_378 : i32 to index
    %swap3A_380 = arith.constant 0 : index
    %swap3A_381 = tpu.vector_load %arg13[%swap3A_379, %swap3A_380] {strides = array<i32>} : memref<4x128xi32, #tpu.memory_space<vmem>>, vector<1x16xi32>,
    %swap3A_382 = vector.shape_cast %swap3A_381 : vector<1x16xi32> to vector<16xi32>
    %swap3A_383 = vector.shape_cast %add3A_377 : vector<16xi32> to vector<1x16xi32>
    tpu.vector_store %arg13[%swap3A_379, %swap3A_380], %swap3A_383 {strides = array<i32>} : memref<4x128xi32, #tpu.memory_space<vmem>>, vector<1x16xi32>,
    %get3A_384 = arith.constant 272 : index
    %get3A_385 = tpu.vector_load %arg9[%get3A_384] {strides = array<i32>} : memref<512xi32, #tpu.memory_space<vmem>>, vector<16xi32>,
    %get3A_386 = vector.shape_cast %get3A_385 : vector<16xi32> to vector<16xi32>
    %get3A_387 = arith.constant 272 : index
    %get3A_388 = tpu.vector_load %arg10[%get3A_387] {strides = array<i32>} : memref<512xi32, #tpu.memory_space<vmem>>, vector<16xi32>,
    %get3A_389 = vector.shape_cast %get3A_388 : vector<16xi32> to vector<16xi32>
    %mul3A_390 = arith.constant 16384 : i32
    %mul3A_391 = vector.broadcast %mul3A_390 : i32 to vector<16xi32>
    %mul3A_392 = arith.muli %get3A_389, %mul3A_391 : vector<16xi32>
    %add3A_393 = arith.addi %get3A_386, %mul3A_392 : vector<16xi32>
    %add3A_394 = arith.constant 2 : i32
    %add3A_395 = arith.addi %mul3A_12, %add3A_394 : i32
    %mul3A_396 = arith.constant 131072 : i32
    %mul3A_397 = arith.muli %add3A_395, %mul3A_396 : i32
    %add3A_398 = vector.broadcast %mul3A_397 : i32 to vector<16xi32>
    %add3A_399 = arith.addi %add3A_393, %add3A_398 : vector<16xi32>
    %swap3A_400 = arith.constant 2 : i32
    %swap3A_401 = arith.index_cast %swap3A_400 : i32 to index
    %swap3A_402 = arith.constant 16 : index
    %swap3A_403 = tpu.vector_load %arg13[%swap3A_401, %swap3A_402] {strides = array<i32>} : memref<4x128xi32, #tpu.memory_space<vmem>>, vector<1x16xi32>,
    %swap3A_404 = vector.shape_cast %swap3A_403 : vector<1x16xi32> to vector<16xi32>
    %swap3A_405 = vector.shape_cast %add3A_399 : vector<16xi32> to vector<1x16xi32>
    tpu.vector_store %arg13[%swap3A_401, %swap3A_402], %swap3A_405 {strides = array<i32>} : memref<4x128xi32, #tpu.memory_space<vmem>>, vector<1x16xi32>,
    %get3A_406 = arith.constant 288 : index
    %get3A_407 = tpu.vector_load %arg9[%get3A_406] {strides = array<i32>} : memref<512xi32, #tpu.memory_space<vmem>>, vector<16xi32>,
    %get3A_408 = vector.shape_cast %get3A_407 : vector<16xi32> to vector<16xi32>
    %get3A_409 = arith.constant 288 : index
    %get3A_410 = tpu.vector_load %arg10[%get3A_409] {strides = array<i32>} : memref<512xi32, #tpu.memory_space<vmem>>, vector<16xi32>,
    %get3A_411 = vector.shape_cast %get3A_410 : vector<16xi32> to vector<16xi32>
    %mul3A_412 = arith.constant 16384 : i32
    %mul3A_413 = vector.broadcast %mul3A_412 : i32 to vector<16xi32>
    %mul3A_414 = arith.muli %get3A_411, %mul3A_413 : vector<16xi32>
    %add3A_415 = arith.addi %get3A_408, %mul3A_414 : vector<16xi32>
    %add3A_416 = arith.constant 2 : i32
    %add3A_417 = arith.addi %mul3A_12, %add3A_416 : i32
    %mul3A_418 = arith.constant 131072 : i32
    %mul3A_419 = arith.muli %add3A_417, %mul3A_418 : i32
    %add3A_420 = vector.broadcast %mul3A_419 : i32 to vector<16xi32>
    %add3A_421 = arith.addi %add3A_415, %add3A_420 : vector<16xi32>
    %swap3A_422 = arith.constant 2 : i32
    %swap3A_423 = arith.index_cast %swap3A_422 : i32 to index
    %swap3A_424 = arith.constant 32 : index
    %swap3A_425 = tpu.vector_load %arg13[%swap3A_423, %swap3A_424] {strides = array<i32>} : memref<4x128xi32, #tpu.memory_space<vmem>>, vector<1x16xi32>,
    %swap3A_426 = vector.shape_cast %swap3A_425 : vector<1x16xi32> to vector<16xi32>
    %swap3A_427 = vector.shape_cast %add3A_421 : vector<16xi32> to vector<1x16xi32>
    tpu.vector_store %arg13[%swap3A_423, %swap3A_424], %swap3A_427 {strides = array<i32>} : memref<4x128xi32, #tpu.memory_space<vmem>>, vector<1x16xi32>,
    %get3A_428 = arith.constant 304 : index
    %get3A_429 = tpu.vector_load %arg9[%get3A_428] {strides = array<i32>} : memref<512xi32, #tpu.memory_space<vmem>>, vector<16xi32>,
    %get3A_430 = vector.shape_cast %get3A_429 : vector<16xi32> to vector<16xi32>
    %get3A_431 = arith.constant 304 : index
    %get3A_432 = tpu.vector_load %arg10[%get3A_431] {strides = array<i32>} : memref<512xi32, #tpu.memory_space<vmem>>, vector<16xi32>,
    %get3A_433 = vector.shape_cast %get3A_432 : vector<16xi32> to vector<16xi32>
    %mul3A_434 = arith.constant 16384 : i32
    %mul3A_435 = vector.broadcast %mul3A_434 : i32 to vector<16xi32>
    %mul3A_436 = arith.muli %get3A_433, %mul3A_435 : vector<16xi32>
    %add3A_437 = arith.addi %get3A_430, %mul3A_436 : vector<16xi32>
    %add3A_438 = arith.constant 2 : i32
    %add3A_439 = arith.addi %mul3A_12, %add3A_438 : i32
    %mul3A_440 = arith.constant 131072 : i32
    %mul3A_441 = arith.muli %add3A_439, %mul3A_440 : i32
    %add3A_442 = vector.broadcast %mul3A_441 : i32 to vector<16xi32>
    %add3A_443 = arith.addi %add3A_437, %add3A_442 : vector<16xi32>
    %swap3A_444 = arith.constant 2 : i32
    %swap3A_445 = arith.index_cast %swap3A_444 : i32 to index
    %swap3A_446 = arith.constant 48 : index
    %swap3A_447 = tpu.vector_load %arg13[%swap3A_445, %swap3A_446] {strides = array<i32>} : memref<4x128xi32, #tpu.memory_space<vmem>>, vector<1x16xi32>,
    %swap3A_448 = vector.shape_cast %swap3A_447 : vector<1x16xi32> to vector<16xi32>
    %swap3A_449 = vector.shape_cast %add3A_443 : vector<16xi32> to vector<1x16xi32>
    tpu.vector_store %arg13[%swap3A_445, %swap3A_446], %swap3A_449 {strides = array<i32>} : memref<4x128xi32, #tpu.memory_space<vmem>>, vector<1x16xi32>,
    %get3A_450 = arith.constant 320 : index
    %get3A_451 = tpu.vector_load %arg9[%get3A_450] {strides = array<i32>} : memref<512xi32, #tpu.memory_space<vmem>>, vector<16xi32>,
    %get3A_452 = vector.shape_cast %get3A_451 : vector<16xi32> to vector<16xi32>
    %get3A_453 = arith.constant 320 : index
    %get3A_454 = tpu.vector_load %arg10[%get3A_453] {strides = array<i32>} : memref<512xi32, #tpu.memory_space<vmem>>, vector<16xi32>,
    %get3A_455 = vector.shape_cast %get3A_454 : vector<16xi32> to vector<16xi32>
    %mul3A_456 = arith.constant 16384 : i32
    %mul3A_457 = vector.broadcast %mul3A_456 : i32 to vector<16xi32>
    %mul3A_458 = arith.muli %get3A_455, %mul3A_457 : vector<16xi32>
    %add3A_459 = arith.addi %get3A_452, %mul3A_458 : vector<16xi32>
    %add3A_460 = arith.constant 2 : i32
    %add3A_461 = arith.addi %mul3A_12, %add3A_460 : i32
    %mul3A_462 = arith.constant 131072 : i32
    %mul3A_463 = arith.muli %add3A_461, %mul3A_462 : i32
    %add3A_464 = vector.broadcast %mul3A_463 : i32 to vector<16xi32>
    %add3A_465 = arith.addi %add3A_459, %add3A_464 : vector<16xi32>
    %swap3A_466 = arith.constant 2 : i32
    %swap3A_467 = arith.index_cast %swap3A_466 : i32 to index
    %swap3A_468 = arith.constant 64 : index
    %swap3A_469 = tpu.vector_load %arg13[%swap3A_467, %swap3A_468] {strides = array<i32>} : memref<4x128xi32, #tpu.memory_space<vmem>>, vector<1x16xi32>,
    %swap3A_470 = vector.shape_cast %swap3A_469 : vector<1x16xi32> to vector<16xi32>
    %swap3A_471 = vector.shape_cast %add3A_465 : vector<16xi32> to vector<1x16xi32>
    tpu.vector_store %arg13[%swap3A_467, %swap3A_468], %swap3A_471 {strides = array<i32>} : memref<4x128xi32, #tpu.memory_space<vmem>>, vector<1x16xi32>,
    %get3A_472 = arith.constant 336 : index
    %get3A_473 = tpu.vector_load %arg9[%get3A_472] {strides = array<i32>} : memref<512xi32, #tpu.memory_space<vmem>>, vector<16xi32>,
    %get3A_474 = vector.shape_cast %get3A_473 : vector<16xi32> to vector<16xi32>
    %get3A_475 = arith.constant 336 : index
    %get3A_476 = tpu.vector_load %arg10[%get3A_475] {strides = array<i32>} : memref<512xi32, #tpu.memory_space<vmem>>, vector<16xi32>,
    %get3A_477 = vector.shape_cast %get3A_476 : vector<16xi32> to vector<16xi32>
    %mul3A_478 = arith.constant 16384 : i32
    %mul3A_479 = vector.broadcast %mul3A_478 : i32 to vector<16xi32>
    %mul3A_480 = arith.muli %get3A_477, %mul3A_479 : vector<16xi32>
    %add3A_481 = arith.addi %get3A_474, %mul3A_480 : vector<16xi32>
    %add3A_482 = arith.constant 2 : i32
    %add3A_483 = arith.addi %mul3A_12, %add3A_482 : i32
    %mul3A_484 = arith.constant 131072 : i32
    %mul3A_485 = arith.muli %add3A_483, %mul3A_484 : i32
    %add3A_486 = vector.broadcast %mul3A_485 : i32 to vector<16xi32>
    %add3A_487 = arith.addi %add3A_481, %add3A_486 : vector<16xi32>
    %swap3A_488 = arith.constant 2 : i32
    %swap3A_489 = arith.index_cast %swap3A_488 : i32 to index
    %swap3A_490 = arith.constant 80 : index
    %swap3A_491 = tpu.vector_load %arg13[%swap3A_489, %swap3A_490] {strides = array<i32>} : memref<4x128xi32, #tpu.memory_space<vmem>>, vector<1x16xi32>,
    %swap3A_492 = vector.shape_cast %swap3A_491 : vector<1x16xi32> to vector<16xi32>
    %swap3A_493 = vector.shape_cast %add3A_487 : vector<16xi32> to vector<1x16xi32>
    tpu.vector_store %arg13[%swap3A_489, %swap3A_490], %swap3A_493 {strides = array<i32>} : memref<4x128xi32, #tpu.memory_space<vmem>>, vector<1x16xi32>,
    %get3A_494 = arith.constant 352 : index
    %get3A_495 = tpu.vector_load %arg9[%get3A_494] {strides = array<i32>} : memref<512xi32, #tpu.memory_space<vmem>>, vector<16xi32>,
    %get3A_496 = vector.shape_cast %get3A_495 : vector<16xi32> to vector<16xi32>
    %get3A_497 = arith.constant 352 : index
    %get3A_498 = tpu.vector_load %arg10[%get3A_497] {strides = array<i32>} : memref<512xi32, #tpu.memory_space<vmem>>, vector<16xi32>,
    %get3A_499 = vector.shape_cast %get3A_498 : vector<16xi32> to vector<16xi32>
    %mul3A_500 = arith.constant 16384 : i32
    %mul3A_501 = vector.broadcast %mul3A_500 : i32 to vector<16xi32>
    %mul3A_502 = arith.muli %get3A_499, %mul3A_501 : vector<16xi32>
    %add3A_503 = arith.addi %get3A_496, %mul3A_502 : vector<16xi32>
    %add3A_504 = arith.constant 2 : i32
    %add3A_505 = arith.addi %mul3A_12, %add3A_504 : i32
    %mul3A_506 = arith.constant 131072 : i32
    %mul3A_507 = arith.muli %add3A_505, %mul3A_506 : i32
    %add3A_508 = vector.broadcast %mul3A_507 : i32 to vector<16xi32>
    %add3A_509 = arith.addi %add3A_503, %add3A_508 : vector<16xi32>
    %swap3A_510 = arith.constant 2 : i32
    %swap3A_511 = arith.index_cast %swap3A_510 : i32 to index
    %swap3A_512 = arith.constant 96 : index
    %swap3A_513 = tpu.vector_load %arg13[%swap3A_511, %swap3A_512] {strides = array<i32>} : memref<4x128xi32, #tpu.memory_space<vmem>>, vector<1x16xi32>,
    %swap3A_514 = vector.shape_cast %swap3A_513 : vector<1x16xi32> to vector<16xi32>
    %swap3A_515 = vector.shape_cast %add3A_509 : vector<16xi32> to vector<1x16xi32>
    tpu.vector_store %arg13[%swap3A_511, %swap3A_512], %swap3A_515 {strides = array<i32>} : memref<4x128xi32, #tpu.memory_space<vmem>>, vector<1x16xi32>,
    %get3A_516 = arith.constant 368 : index
    %get3A_517 = tpu.vector_load %arg9[%get3A_516] {strides = array<i32>} : memref<512xi32, #tpu.memory_space<vmem>>, vector<16xi32>,
    %get3A_518 = vector.shape_cast %get3A_517 : vector<16xi32> to vector<16xi32>
    %get3A_519 = arith.constant 368 : index
    %get3A_520 = tpu.vector_load %arg10[%get3A_519] {strides = array<i32>} : memref<512xi32, #tpu.memory_space<vmem>>, vector<16xi32>,
    %get3A_521 = vector.shape_cast %get3A_520 : vector<16xi32> to vector<16xi32>
    %mul3A_522 = arith.constant 16384 : i32
    %mul3A_523 = vector.broadcast %mul3A_522 : i32 to vector<16xi32>
    %mul3A_524 = arith.muli %get3A_521, %mul3A_523 : vector<16xi32>
    %add3A_525 = arith.addi %get3A_518, %mul3A_524 : vector<16xi32>
    %add3A_526 = arith.constant 2 : i32
    %add3A_527 = arith.addi %mul3A_12, %add3A_526 : i32
    %mul3A_528 = arith.constant 131072 : i32
    %mul3A_529 = arith.muli %add3A_527, %mul3A_528 : i32
    %add3A_530 = vector.broadcast %mul3A_529 : i32 to vector<16xi32>
    %add3A_531 = arith.addi %add3A_525, %add3A_530 : vector<16xi32>
    %swap3A_532 = arith.constant 2 : i32
    %swap3A_533 = arith.index_cast %swap3A_532 : i32 to index
    %swap3A_534 = arith.constant 112 : index
    %swap3A_535 = tpu.vector_load %arg13[%swap3A_533, %swap3A_534] {strides = array<i32>} : memref<4x128xi32, #tpu.memory_space<vmem>>, vector<1x16xi32>,
    %swap3A_536 = vector.shape_cast %swap3A_535 : vector<1x16xi32> to vector<16xi32>
    %swap3A_537 = vector.shape_cast %add3A_531 : vector<16xi32> to vector<1x16xi32>
    tpu.vector_store %arg13[%swap3A_533, %swap3A_534], %swap3A_537 {strides = array<i32>} : memref<4x128xi32, #tpu.memory_space<vmem>>, vector<1x16xi32>,
    %get3A_538 = arith.constant 384 : index
    %get3A_539 = tpu.vector_load %arg9[%get3A_538] {strides = array<i32>} : memref<512xi32, #tpu.memory_space<vmem>>, vector<16xi32>,
    %get3A_540 = vector.shape_cast %get3A_539 : vector<16xi32> to vector<16xi32>
    %get3A_541 = arith.constant 384 : index
    %get3A_542 = tpu.vector_load %arg10[%get3A_541] {strides = array<i32>} : memref<512xi32, #tpu.memory_space<vmem>>, vector<16xi32>,
    %get3A_543 = vector.shape_cast %get3A_542 : vector<16xi32> to vector<16xi32>
    %mul3A_544 = arith.constant 16384 : i32
    %mul3A_545 = vector.broadcast %mul3A_544 : i32 to vector<16xi32>
    %mul3A_546 = arith.muli %get3A_543, %mul3A_545 : vector<16xi32>
    %add3A_547 = arith.addi %get3A_540, %mul3A_546 : vector<16xi32>
    %add3A_548 = arith.constant 3 : i32
    %add3A_549 = arith.addi %mul3A_12, %add3A_548 : i32
    %mul3A_550 = arith.constant 131072 : i32
    %mul3A_551 = arith.muli %add3A_549, %mul3A_550 : i32
    %add3A_552 = vector.broadcast %mul3A_551 : i32 to vector<16xi32>
    %add3A_553 = arith.addi %add3A_547, %add3A_552 : vector<16xi32>
    %swap3A_554 = arith.constant 3 : i32
    %swap3A_555 = arith.index_cast %swap3A_554 : i32 to index
    %swap3A_556 = arith.constant 0 : index
    %swap3A_557 = tpu.vector_load %arg13[%swap3A_555, %swap3A_556] {strides = array<i32>} : memref<4x128xi32, #tpu.memory_space<vmem>>, vector<1x16xi32>,
    %swap3A_558 = vector.shape_cast %swap3A_557 : vector<1x16xi32> to vector<16xi32>
    %swap3A_559 = vector.shape_cast %add3A_553 : vector<16xi32> to vector<1x16xi32>
    tpu.vector_store %arg13[%swap3A_555, %swap3A_556], %swap3A_559 {strides = array<i32>} : memref<4x128xi32, #tpu.memory_space<vmem>>, vector<1x16xi32>,
    %get3A_560 = arith.constant 400 : index
    %get3A_561 = tpu.vector_load %arg9[%get3A_560] {strides = array<i32>} : memref<512xi32, #tpu.memory_space<vmem>>, vector<16xi32>,
    %get3A_562 = vector.shape_cast %get3A_561 : vector<16xi32> to vector<16xi32>
    %get3A_563 = arith.constant 400 : index
    %get3A_564 = tpu.vector_load %arg10[%get3A_563] {strides = array<i32>} : memref<512xi32, #tpu.memory_space<vmem>>, vector<16xi32>,
    %get3A_565 = vector.shape_cast %get3A_564 : vector<16xi32> to vector<16xi32>
    %mul3A_566 = arith.constant 16384 : i32
    %mul3A_567 = vector.broadcast %mul3A_566 : i32 to vector<16xi32>
    %mul3A_568 = arith.muli %get3A_565, %mul3A_567 : vector<16xi32>
    %add3A_569 = arith.addi %get3A_562, %mul3A_568 : vector<16xi32>
    %add3A_570 = arith.constant 3 : i32
    %add3A_571 = arith.addi %mul3A_12, %add3A_570 : i32
    %mul3A_572 = arith.constant 131072 : i32
    %mul3A_573 = arith.muli %add3A_571, %mul3A_572 : i32
    %add3A_574 = vector.broadcast %mul3A_573 : i32 to vector<16xi32>
    %add3A_575 = arith.addi %add3A_569, %add3A_574 : vector<16xi32>
    %swap3A_576 = arith.constant 3 : i32
    %swap3A_577 = arith.index_cast %swap3A_576 : i32 to index
    %swap3A_578 = arith.constant 16 : index
    %swap3A_579 = tpu.vector_load %arg13[%swap3A_577, %swap3A_578] {strides = array<i32>} : memref<4x128xi32, #tpu.memory_space<vmem>>, vector<1x16xi32>,
    %swap3A_580 = vector.shape_cast %swap3A_579 : vector<1x16xi32> to vector<16xi32>
    %swap3A_581 = vector.shape_cast %add3A_575 : vector<16xi32> to vector<1x16xi32>
    tpu.vector_store %arg13[%swap3A_577, %swap3A_578], %swap3A_581 {strides = array<i32>} : memref<4x128xi32, #tpu.memory_space<vmem>>, vector<1x16xi32>,
    %get3A_582 = arith.constant 416 : index
    %get3A_583 = tpu.vector_load %arg9[%get3A_582] {strides = array<i32>} : memref<512xi32, #tpu.memory_space<vmem>>, vector<16xi32>,
    %get3A_584 = vector.shape_cast %get3A_583 : vector<16xi32> to vector<16xi32>
    %get3A_585 = arith.constant 416 : index
    %get3A_586 = tpu.vector_load %arg10[%get3A_585] {strides = array<i32>} : memref<512xi32, #tpu.memory_space<vmem>>, vector<16xi32>,
    %get3A_587 = vector.shape_cast %get3A_586 : vector<16xi32> to vector<16xi32>
    %mul3A_588 = arith.constant 16384 : i32
    %mul3A_589 = vector.broadcast %mul3A_588 : i32 to vector<16xi32>
    %mul3A_590 = arith.muli %get3A_587, %mul3A_589 : vector<16xi32>
    %add3A_591 = arith.addi %get3A_584, %mul3A_590 : vector<16xi32>
    %add3A_592 = arith.constant 3 : i32
    %add3A_593 = arith.addi %mul3A_12, %add3A_592 : i32
    %mul3A_594 = arith.constant 131072 : i32
    %mul3A_595 = arith.muli %add3A_593, %mul3A_594 : i32
    %add3A_596 = vector.broadcast %mul3A_595 : i32 to vector<16xi32>
    %add3A_597 = arith.addi %add3A_591, %add3A_596 : vector<16xi32>
    %swap3A_598 = arith.constant 3 : i32
    %swap3A_599 = arith.index_cast %swap3A_598 : i32 to index
    %swap3A_600 = arith.constant 32 : index
    %swap3A_601 = tpu.vector_load %arg13[%swap3A_599, %swap3A_600] {strides = array<i32>} : memref<4x128xi32, #tpu.memory_space<vmem>>, vector<1x16xi32>,
    %swap3A_602 = vector.shape_cast %swap3A_601 : vector<1x16xi32> to vector<16xi32>
    %swap3A_603 = vector.shape_cast %add3A_597 : vector<16xi32> to vector<1x16xi32>
    tpu.vector_store %arg13[%swap3A_599, %swap3A_600], %swap3A_603 {strides = array<i32>} : memref<4x128xi32, #tpu.memory_space<vmem>>, vector<1x16xi32>,
    %get3A_604 = arith.constant 432 : index
    %get3A_605 = tpu.vector_load %arg9[%get3A_604] {strides = array<i32>} : memref<512xi32, #tpu.memory_space<vmem>>, vector<16xi32>,
    %get3A_606 = vector.shape_cast %get3A_605 : vector<16xi32> to vector<16xi32>
    %get3A_607 = arith.constant 432 : index
    %get3A_608 = tpu.vector_load %arg10[%get3A_607] {strides = array<i32>} : memref<512xi32, #tpu.memory_space<vmem>>, vector<16xi32>,
    %get3A_609 = vector.shape_cast %get3A_608 : vector<16xi32> to vector<16xi32>
    %mul3A_610 = arith.constant 16384 : i32
    %mul3A_611 = vector.broadcast %mul3A_610 : i32 to vector<16xi32>
    %mul3A_612 = arith.muli %get3A_609, %mul3A_611 : vector<16xi32>
    %add3A_613 = arith.addi %get3A_606, %mul3A_612 : vector<16xi32>
    %add3A_614 = arith.constant 3 : i32
    %add3A_615 = arith.addi %mul3A_12, %add3A_614 : i32
    %mul3A_616 = arith.constant 131072 : i32
    %mul3A_617 = arith.muli %add3A_615, %mul3A_616 : i32
    %add3A_618 = vector.broadcast %mul3A_617 : i32 to vector<16xi32>
    %add3A_619 = arith.addi %add3A_613, %add3A_618 : vector<16xi32>
    %swap3A_620 = arith.constant 3 : i32
    %swap3A_621 = arith.index_cast %swap3A_620 : i32 to index
    %swap3A_622 = arith.constant 48 : index
    %swap3A_623 = tpu.vector_load %arg13[%swap3A_621, %swap3A_622] {strides = array<i32>} : memref<4x128xi32, #tpu.memory_space<vmem>>, vector<1x16xi32>,
    %swap3A_624 = vector.shape_cast %swap3A_623 : vector<1x16xi32> to vector<16xi32>
    %swap3A_625 = vector.shape_cast %add3A_619 : vector<16xi32> to vector<1x16xi32>
    tpu.vector_store %arg13[%swap3A_621, %swap3A_622], %swap3A_625 {strides = array<i32>} : memref<4x128xi32, #tpu.memory_space<vmem>>, vector<1x16xi32>,
    %get3A_626 = arith.constant 448 : index
    %get3A_627 = tpu.vector_load %arg9[%get3A_626] {strides = array<i32>} : memref<512xi32, #tpu.memory_space<vmem>>, vector<16xi32>,
    %get3A_628 = vector.shape_cast %get3A_627 : vector<16xi32> to vector<16xi32>
    %get3A_629 = arith.constant 448 : index
    %get3A_630 = tpu.vector_load %arg10[%get3A_629] {strides = array<i32>} : memref<512xi32, #tpu.memory_space<vmem>>, vector<16xi32>,
    %get3A_631 = vector.shape_cast %get3A_630 : vector<16xi32> to vector<16xi32>
    %mul3A_632 = arith.constant 16384 : i32
    %mul3A_633 = vector.broadcast %mul3A_632 : i32 to vector<16xi32>
    %mul3A_634 = arith.muli %get3A_631, %mul3A_633 : vector<16xi32>
    %add3A_635 = arith.addi %get3A_628, %mul3A_634 : vector<16xi32>
    %add3A_636 = arith.constant 3 : i32
    %add3A_637 = arith.addi %mul3A_12, %add3A_636 : i32
    %mul3A_638 = arith.constant 131072 : i32
    %mul3A_639 = arith.muli %add3A_637, %mul3A_638 : i32
    %add3A_640 = vector.broadcast %mul3A_639 : i32 to vector<16xi32>
    %add3A_641 = arith.addi %add3A_635, %add3A_640 : vector<16xi32>
    %swap3A_642 = arith.constant 3 : i32
    %swap3A_643 = arith.index_cast %swap3A_642 : i32 to index
    %swap3A_644 = arith.constant 64 : index
    %swap3A_645 = tpu.vector_load %arg13[%swap3A_643, %swap3A_644] {strides = array<i32>} : memref<4x128xi32, #tpu.memory_space<vmem>>, vector<1x16xi32>,
    %swap3A_646 = vector.shape_cast %swap3A_645 : vector<1x16xi32> to vector<16xi32>
    %swap3A_647 = vector.shape_cast %add3A_641 : vector<16xi32> to vector<1x16xi32>
    tpu.vector_store %arg13[%swap3A_643, %swap3A_644], %swap3A_647 {strides = array<i32>} : memref<4x128xi32, #tpu.memory_space<vmem>>, vector<1x16xi32>,
    %get3A_648 = arith.constant 464 : index
    %get3A_649 = tpu.vector_load %arg9[%get3A_648] {strides = array<i32>} : memref<512xi32, #tpu.memory_space<vmem>>, vector<16xi32>,
    %get3A_650 = vector.shape_cast %get3A_649 : vector<16xi32> to vector<16xi32>
    %get3A_651 = arith.constant 464 : index
    %get3A_652 = tpu.vector_load %arg10[%get3A_651] {strides = array<i32>} : memref<512xi32, #tpu.memory_space<vmem>>, vector<16xi32>,
    %get3A_653 = vector.shape_cast %get3A_652 : vector<16xi32> to vector<16xi32>
    %mul3A_654 = arith.constant 16384 : i32
    %mul3A_655 = vector.broadcast %mul3A_654 : i32 to vector<16xi32>
    %mul3A_656 = arith.muli %get3A_653, %mul3A_655 : vector<16xi32>
    %add3A_657 = arith.addi %get3A_650, %mul3A_656 : vector<16xi32>
    %add3A_658 = arith.constant 3 : i32
    %add3A_659 = arith.addi %mul3A_12, %add3A_658 : i32
    %mul3A_660 = arith.constant 131072 : i32
    %mul3A_661 = arith.muli %add3A_659, %mul3A_660 : i32
    %add3A_662 = vector.broadcast %mul3A_661 : i32 to vector<16xi32>
    %add3A_663 = arith.addi %add3A_657, %add3A_662 : vector<16xi32>
    %swap3A_664 = arith.constant 3 : i32
    %swap3A_665 = arith.index_cast %swap3A_664 : i32 to index
    %swap3A_666 = arith.constant 80 : index
    %swap3A_667 = tpu.vector_load %arg13[%swap3A_665, %swap3A_666] {strides = array<i32>} : memref<4x128xi32, #tpu.memory_space<vmem>>, vector<1x16xi32>,
    %swap3A_668 = vector.shape_cast %swap3A_667 : vector<1x16xi32> to vector<16xi32>
    %swap3A_669 = vector.shape_cast %add3A_663 : vector<16xi32> to vector<1x16xi32>
    tpu.vector_store %arg13[%swap3A_665, %swap3A_666], %swap3A_669 {strides = array<i32>} : memref<4x128xi32, #tpu.memory_space<vmem>>, vector<1x16xi32>,
    %get3A_670 = arith.constant 480 : index
    %get3A_671 = tpu.vector_load %arg9[%get3A_670] {strides = array<i32>} : memref<512xi32, #tpu.memory_space<vmem>>, vector<16xi32>,
    %get3A_672 = vector.shape_cast %get3A_671 : vector<16xi32> to vector<16xi32>
    %get3A_673 = arith.constant 480 : index
    %get3A_674 = tpu.vector_load %arg10[%get3A_673] {strides = array<i32>} : memref<512xi32, #tpu.memory_space<vmem>>, vector<16xi32>,
    %get3A_675 = vector.shape_cast %get3A_674 : vector<16xi32> to vector<16xi32>
    %mul3A_676 = arith.constant 16384 : i32
    %mul3A_677 = vector.broadcast %mul3A_676 : i32 to vector<16xi32>
    %mul3A_678 = arith.muli %get3A_675, %mul3A_677 : vector<16xi32>
    %add3A_679 = arith.addi %get3A_672, %mul3A_678 : vector<16xi32>
    %add3A_680 = arith.constant 3 : i32
    %add3A_681 = arith.addi %mul3A_12, %add3A_680 : i32
    %mul3A_682 = arith.constant 131072 : i32
    %mul3A_683 = arith.muli %add3A_681, %mul3A_682 : i32
    %add3A_684 = vector.broadcast %mul3A_683 : i32 to vector<16xi32>
    %add3A_685 = arith.addi %add3A_679, %add3A_684 : vector<16xi32>
    %swap3A_686 = arith.constant 3 : i32
    %swap3A_687 = arith.index_cast %swap3A_686 : i32 to index
    %swap3A_688 = arith.constant 96 : index
    %swap3A_689 = tpu.vector_load %arg13[%swap3A_687, %swap3A_688] {strides = array<i32>} : memref<4x128xi32, #tpu.memory_space<vmem>>, vector<1x16xi32>,
    %swap3A_690 = vector.shape_cast %swap3A_689 : vector<1x16xi32> to vector<16xi32>
    %swap3A_691 = vector.shape_cast %add3A_685 : vector<16xi32> to vector<1x16xi32>
    tpu.vector_store %arg13[%swap3A_687, %swap3A_688], %swap3A_691 {strides = array<i32>} : memref<4x128xi32, #tpu.memory_space<vmem>>, vector<1x16xi32>,
    %get3A_692 = arith.constant 496 : index
    %get3A_693 = tpu.vector_load %arg9[%get3A_692] {strides = array<i32>} : memref<512xi32, #tpu.memory_space<vmem>>, vector<16xi32>,
    %get3A_694 = vector.shape_cast %get3A_693 : vector<16xi32> to vector<16xi32>
    %get3A_695 = arith.constant 496 : index
    %get3A_696 = tpu.vector_load %arg10[%get3A_695] {strides = array<i32>} : memref<512xi32, #tpu.memory_space<vmem>>, vector<16xi32>,
    %get3A_697 = vector.shape_cast %get3A_696 : vector<16xi32> to vector<16xi32>
    %mul3A_698 = arith.constant 16384 : i32
    %mul3A_699 = vector.broadcast %mul3A_698 : i32 to vector<16xi32>
    %mul3A_700 = arith.muli %get3A_697, %mul3A_699 : vector<16xi32>
    %add3A_701 = arith.addi %get3A_694, %mul3A_700 : vector<16xi32>
    %add3A_702 = arith.constant 3 : i32
    %add3A_703 = arith.addi %mul3A_12, %add3A_702 : i32
    %mul3A_704 = arith.constant 131072 : i32
    %mul3A_705 = arith.muli %add3A_703, %mul3A_704 : i32
    %add3A_706 = vector.broadcast %mul3A_705 : i32 to vector<16xi32>
    %add3A_707 = arith.addi %add3A_701, %add3A_706 : vector<16xi32>
    %swap3A_708 = arith.constant 3 : i32
    %swap3A_709 = arith.index_cast %swap3A_708 : i32 to index
    %swap3A_710 = arith.constant 112 : index
    %swap3A_711 = tpu.vector_load %arg13[%swap3A_709, %swap3A_710] {strides = array<i32>} : memref<4x128xi32, #tpu.memory_space<vmem>>, vector<1x16xi32>,
    %swap3A_712 = vector.shape_cast %swap3A_711 : vector<1x16xi32> to vector<16xi32>
    %swap3A_713 = vector.shape_cast %add3A_707 : vector<16xi32> to vector<1x16xi32>
    tpu.vector_store %arg13[%swap3A_709, %swap3A_710], %swap3A_713 {strides = array<i32>} : memref<4x128xi32, #tpu.memory_space<vmem>>, vector<1x16xi32>,
    %dma_start3A_714 = arith.constant 0 : i32
    %dma_start3A_715 = arith.constant 0 : i32
    %dma_start3A_716 = arith.constant 0 : i32
    %dma_start3A_717 = tpu.memref_slice %arg14[%dma_start3A_715, %dma_start3A_716] : memref<4x128xf32, #tpu.memory_space<vmem>> -> memref<1x128xf32, #tpu.memory_space<vmem>>
    %dma_start3A_718 = tpu.memref_squeeze %dma_start3A_717 : memref<1x128xf32, #tpu.memory_space<vmem>> -> memref<128xf32, #tpu.memory_space<vmem>>
    %dma_start3A_719 = arith.constant 0 : i32
    %dma_start3A_720 = tpu.memref_slice %arg13[%dma_start3A_714, %dma_start3A_719] : memref<4x128xi32, #tpu.memory_space<vmem>> -> memref<1x128xi32, #tpu.memory_space<vmem>>
    %dma_start3A_721 = tpu.memref_squeeze %dma_start3A_720 : memref<1x128xi32, #tpu.memory_space<vmem>> -> memref<128xi32, #tpu.memory_space<vmem>>
    %dma_start3A_722 = arith.constant 0 : i32
    %dma_start3A_723 = tpu.memref_slice %arg2[%dma_start3A_722] : memref<8388608xf32, #tpu.memory_space<hbm>> -> memref<8388608xf32, #tpu.memory_space<hbm>>
    tpu.enqueue_indirect_dma source(%dma_start3A_723 : memref<8388608xf32, #tpu.memory_space<hbm>>) target(%dma_start3A_718 : memref<128xf32, #tpu.memory_space<vmem>>) offsets(%dma_start3A_721 : memref<128xi32, #tpu.memory_space<vmem>>) semaphore(%arg20 : memref<!tpu.dma_semaphore, #tpu.memory_space<semaphore_mem>>)
    %dma_start3A_724 = arith.constant 1 : i32
    %dma_start3A_725 = arith.constant 1 : i32
    %dma_start3A_726 = arith.constant 0 : i32
    %dma_start3A_727 = tpu.memref_slice %arg14[%dma_start3A_725, %dma_start3A_726] : memref<4x128xf32, #tpu.memory_space<vmem>> -> memref<1x128xf32, #tpu.memory_space<vmem>>
    %dma_start3A_728 = tpu.memref_squeeze %dma_start3A_727 : memref<1x128xf32, #tpu.memory_space<vmem>> -> memref<128xf32, #tpu.memory_space<vmem>>
    %dma_start3A_729 = arith.constant 0 : i32
    %dma_start3A_730 = tpu.memref_slice %arg13[%dma_start3A_724, %dma_start3A_729] : memref<4x128xi32, #tpu.memory_space<vmem>> -> memref<1x128xi32, #tpu.memory_space<vmem>>
    %dma_start3A_731 = tpu.memref_squeeze %dma_start3A_730 : memref<1x128xi32, #tpu.memory_space<vmem>> -> memref<128xi32, #tpu.memory_space<vmem>>
    %dma_start3A_732 = arith.constant 0 : i32
    %dma_start3A_733 = tpu.memref_slice %arg2[%dma_start3A_732] : memref<8388608xf32, #tpu.memory_space<hbm>> -> memref<8388608xf32, #tpu.memory_space<hbm>>
    tpu.enqueue_indirect_dma source(%dma_start3A_733 : memref<8388608xf32, #tpu.memory_space<hbm>>) target(%dma_start3A_728 : memref<128xf32, #tpu.memory_space<vmem>>) offsets(%dma_start3A_731 : memref<128xi32, #tpu.memory_space<vmem>>) semaphore(%arg20 : memref<!tpu.dma_semaphore, #tpu.memory_space<semaphore_mem>>)
    %dma_start3A_734 = arith.constant 2 : i32
    %dma_start3A_735 = arith.constant 2 : i32
    %dma_start3A_736 = arith.constant 0 : i32
    %dma_start3A_737 = tpu.memref_slice %arg14[%dma_start3A_735, %dma_start3A_736] : memref<4x128xf32, #tpu.memory_space<vmem>> -> memref<1x128xf32, #tpu.memory_space<vmem>>
    %dma_start3A_738 = tpu.memref_squeeze %dma_start3A_737 : memref<1x128xf32, #tpu.memory_space<vmem>> -> memref<128xf32, #tpu.memory_space<vmem>>
    %dma_start3A_739 = arith.constant 0 : i32
    %dma_start3A_740 = tpu.memref_slice %arg13[%dma_start3A_734, %dma_start3A_739] : memref<4x128xi32, #tpu.memory_space<vmem>> -> memref<1x128xi32, #tpu.memory_space<vmem>>
    %dma_start3A_741 = tpu.memref_squeeze %dma_start3A_740 : memref<1x128xi32, #tpu.memory_space<vmem>> -> memref<128xi32, #tpu.memory_space<vmem>>
    %dma_start3A_742 = arith.constant 0 : i32
    %dma_start3A_743 = tpu.memref_slice %arg2[%dma_start3A_742] : memref<8388608xf32, #tpu.memory_space<hbm>> -> memref<8388608xf32, #tpu.memory_space<hbm>>
    tpu.enqueue_indirect_dma source(%dma_start3A_743 : memref<8388608xf32, #tpu.memory_space<hbm>>) target(%dma_start3A_738 : memref<128xf32, #tpu.memory_space<vmem>>) offsets(%dma_start3A_741 : memref<128xi32, #tpu.memory_space<vmem>>) semaphore(%arg20 : memref<!tpu.dma_semaphore, #tpu.memory_space<semaphore_mem>>)
    %dma_start3A_744 = arith.constant 3 : i32
    %dma_start3A_745 = arith.constant 3 : i32
    %dma_start3A_746 = arith.constant 0 : i32
    %dma_start3A_747 = tpu.memref_slice %arg14[%dma_start3A_745, %dma_start3A_746] : memref<4x128xf32, #tpu.memory_space<vmem>> -> memref<1x128xf32, #tpu.memory_space<vmem>>
    %dma_start3A_748 = tpu.memref_squeeze %dma_start3A_747 : memref<1x128xf32, #tpu.memory_space<vmem>> -> memref<128xf32, #tpu.memory_space<vmem>>
    %dma_start3A_749 = arith.constant 0 : i32
    %dma_start3A_750 = tpu.memref_slice %arg13[%dma_start3A_744, %dma_start3A_749] : memref<4x128xi32, #tpu.memory_space<vmem>> -> memref<1x128xi32, #tpu.memory_space<vmem>>
    %dma_start3A_751 = tpu.memref_squeeze %dma_start3A_750 : memref<1x128xi32, #tpu.memory_space<vmem>> -> memref<128xi32, #tpu.memory_space<vmem>>
    %dma_start3A_752 = arith.constant 0 : i32
    %dma_start3A_753 = tpu.memref_slice %arg2[%dma_start3A_752] : memref<8388608xf32, #tpu.memory_space<hbm>> -> memref<8388608xf32, #tpu.memory_space<hbm>>
    tpu.enqueue_indirect_dma source(%dma_start3A_753 : memref<8388608xf32, #tpu.memory_space<hbm>>) target(%dma_start3A_748 : memref<128xf32, #tpu.memory_space<vmem>>) offsets(%dma_start3A_751 : memref<128xi32, #tpu.memory_space<vmem>>) semaphore(%arg20 : memref<!tpu.dma_semaphore, #tpu.memory_space<semaphore_mem>>)
    %dma_wait3A_754 = tpu.memref_slice %arg5[%mul3A_0] : memref<8192xf32, #tpu.memory_space<hbm>> -> memref<512xf32, #tpu.memory_space<hbm>>
    %dma_wait3A_755 = tpu.memref_slice %arg5[%mul3A_0] : memref<8192xf32, #tpu.memory_space<hbm>> -> memref<512xf32, #tpu.memory_space<hbm>>
    tpu.wait_dma2 semaphore(%arg19 : memref<!tpu.dma_semaphore, #tpu.memory_space<semaphore_mem>>) src(%dma_wait3A_755 : memref<512xf32, #tpu.memory_space<hbm>>) dst(%arg11 : memref<512xf32, #tpu.memory_space<vmem>>)
    %dma_wait3A_756 = tpu.memref_slice %arg6[%mul3A_0] : memref<8192xf32, #tpu.memory_space<hbm>> -> memref<512xf32, #tpu.memory_space<hbm>>
    %dma_wait3A_757 = tpu.memref_slice %arg6[%mul3A_0] : memref<8192xf32, #tpu.memory_space<hbm>> -> memref<512xf32, #tpu.memory_space<hbm>>
    tpu.wait_dma2 semaphore(%arg19 : memref<!tpu.dma_semaphore, #tpu.memory_space<semaphore_mem>>) src(%dma_wait3A_757 : memref<512xf32, #tpu.memory_space<hbm>>) dst(%arg12 : memref<512xf32, #tpu.memory_space<vmem>>)
    %broadcast_in_dim3A = arith.constant 0.000000e+00 : f32
    %broadcast_in_dim3A_758 = vector.broadcast %broadcast_in_dim3A : f32 to vector<16xf32>
    %get3A_759 = arith.constant 0 : index
    %get3A_760 = tpu.vector_load %arg12[%get3A_759] {strides = array<i32>} : memref<512xf32, #tpu.memory_space<vmem>>, vector<16xf32>,
    %get3A_761 = vector.shape_cast %get3A_760 : vector<16xf32> to vector<16xf32>
    %add3A_762 = arith.addf %broadcast_in_dim3A_758, %get3A_761 : vector<16xf32>
    %get3A_763 = arith.constant 16 : index
    %get3A_764 = tpu.vector_load %arg12[%get3A_763] {strides = array<i32>} : memref<512xf32, #tpu.memory_space<vmem>>, vector<16xf32>,
    %get3A_765 = vector.shape_cast %get3A_764 : vector<16xf32> to vector<16xf32>
    %add3A_766 = arith.addf %add3A_762, %get3A_765 : vector<16xf32>
    %get3A_767 = arith.constant 32 : index
    %get3A_768 = tpu.vector_load %arg12[%get3A_767] {strides = array<i32>} : memref<512xf32, #tpu.memory_space<vmem>>, vector<16xf32>,
    %get3A_769 = vector.shape_cast %get3A_768 : vector<16xf32> to vector<16xf32>
    %add3A_770 = arith.addf %add3A_766, %get3A_769 : vector<16xf32>
    %get3A_771 = arith.constant 48 : index
    %get3A_772 = tpu.vector_load %arg12[%get3A_771] {strides = array<i32>} : memref<512xf32, #tpu.memory_space<vmem>>, vector<16xf32>,
    %get3A_773 = vector.shape_cast %get3A_772 : vector<16xf32> to vector<16xf32>
    %add3A_774 = arith.addf %add3A_770, %get3A_773 : vector<16xf32>
    %get3A_775 = arith.constant 64 : index
    %get3A_776 = tpu.vector_load %arg12[%get3A_775] {strides = array<i32>} : memref<512xf32, #tpu.memory_space<vmem>>, vector<16xf32>,
    %get3A_777 = vector.shape_cast %get3A_776 : vector<16xf32> to vector<16xf32>
    %add3A_778 = arith.addf %add3A_774, %get3A_777 : vector<16xf32>
    %get3A_779 = arith.constant 80 : index
    %get3A_780 = tpu.vector_load %arg12[%get3A_779] {strides = array<i32>} : memref<512xf32, #tpu.memory_space<vmem>>, vector<16xf32>,
    %get3A_781 = vector.shape_cast %get3A_780 : vector<16xf32> to vector<16xf32>
    %add3A_782 = arith.addf %add3A_778, %get3A_781 : vector<16xf32>
    %get3A_783 = arith.constant 96 : index
    %get3A_784 = tpu.vector_load %arg12[%get3A_783] {strides = array<i32>} : memref<512xf32, #tpu.memory_space<vmem>>, vector<16xf32>,
    %get3A_785 = vector.shape_cast %get3A_784 : vector<16xf32> to vector<16xf32>
    %add3A_786 = arith.addf %add3A_782, %get3A_785 : vector<16xf32>
    %get3A_787 = arith.constant 112 : index
    %get3A_788 = tpu.vector_load %arg12[%get3A_787] {strides = array<i32>} : memref<512xf32, #tpu.memory_space<vmem>>, vector<16xf32>,
    %get3A_789 = vector.shape_cast %get3A_788 : vector<16xf32> to vector<16xf32>
    %add3A_790 = arith.addf %add3A_786, %get3A_789 : vector<16xf32>
    %get3A_791 = arith.constant 128 : index
    %get3A_792 = tpu.vector_load %arg12[%get3A_791] {strides = array<i32>} : memref<512xf32, #tpu.memory_space<vmem>>, vector<16xf32>,
    %get3A_793 = vector.shape_cast %get3A_792 : vector<16xf32> to vector<16xf32>
    %add3A_794 = arith.addf %add3A_790, %get3A_793 : vector<16xf32>
    %get3A_795 = arith.constant 144 : index
    %get3A_796 = tpu.vector_load %arg12[%get3A_795] {strides = array<i32>} : memref<512xf32, #tpu.memory_space<vmem>>, vector<16xf32>,
    %get3A_797 = vector.shape_cast %get3A_796 : vector<16xf32> to vector<16xf32>
    %add3A_798 = arith.addf %add3A_794, %get3A_797 : vector<16xf32>
    %get3A_799 = arith.constant 160 : index
    %get3A_800 = tpu.vector_load %arg12[%get3A_799] {strides = array<i32>} : memref<512xf32, #tpu.memory_space<vmem>>, vector<16xf32>,
    %get3A_801 = vector.shape_cast %get3A_800 : vector<16xf32> to vector<16xf32>
    %add3A_802 = arith.addf %add3A_798, %get3A_801 : vector<16xf32>
    %get3A_803 = arith.constant 176 : index
    %get3A_804 = tpu.vector_load %arg12[%get3A_803] {strides = array<i32>} : memref<512xf32, #tpu.memory_space<vmem>>, vector<16xf32>,
    %get3A_805 = vector.shape_cast %get3A_804 : vector<16xf32> to vector<16xf32>
    %add3A_806 = arith.addf %add3A_802, %get3A_805 : vector<16xf32>
    %get3A_807 = arith.constant 192 : index
    %get3A_808 = tpu.vector_load %arg12[%get3A_807] {strides = array<i32>} : memref<512xf32, #tpu.memory_space<vmem>>, vector<16xf32>,
    %get3A_809 = vector.shape_cast %get3A_808 : vector<16xf32> to vector<16xf32>
    %add3A_810 = arith.addf %add3A_806, %get3A_809 : vector<16xf32>
    %get3A_811 = arith.constant 208 : index
    %get3A_812 = tpu.vector_load %arg12[%get3A_811] {strides = array<i32>} : memref<512xf32, #tpu.memory_space<vmem>>, vector<16xf32>,
    %get3A_813 = vector.shape_cast %get3A_812 : vector<16xf32> to vector<16xf32>
    %add3A_814 = arith.addf %add3A_810, %get3A_813 : vector<16xf32>
    %get3A_815 = arith.constant 224 : index
    %get3A_816 = tpu.vector_load %arg12[%get3A_815] {strides = array<i32>} : memref<512xf32, #tpu.memory_space<vmem>>, vector<16xf32>,
    %get3A_817 = vector.shape_cast %get3A_816 : vector<16xf32> to vector<16xf32>
    %add3A_818 = arith.addf %add3A_814, %get3A_817 : vector<16xf32>
    %get3A_819 = arith.constant 240 : index
    %get3A_820 = tpu.vector_load %arg12[%get3A_819] {strides = array<i32>} : memref<512xf32, #tpu.memory_space<vmem>>, vector<16xf32>,
    %get3A_821 = vector.shape_cast %get3A_820 : vector<16xf32> to vector<16xf32>
    %add3A_822 = arith.addf %add3A_818, %get3A_821 : vector<16xf32>
    %get3A_823 = arith.constant 256 : index
    %get3A_824 = tpu.vector_load %arg12[%get3A_823] {strides = array<i32>} : memref<512xf32, #tpu.memory_space<vmem>>, vector<16xf32>,
    %get3A_825 = vector.shape_cast %get3A_824 : vector<16xf32> to vector<16xf32>
    %add3A_826 = arith.addf %add3A_822, %get3A_825 : vector<16xf32>
    %get3A_827 = arith.constant 272 : index
    %get3A_828 = tpu.vector_load %arg12[%get3A_827] {strides = array<i32>} : memref<512xf32, #tpu.memory_space<vmem>>, vector<16xf32>,
    %get3A_829 = vector.shape_cast %get3A_828 : vector<16xf32> to vector<16xf32>
    %add3A_830 = arith.addf %add3A_826, %get3A_829 : vector<16xf32>
    %get3A_831 = arith.constant 288 : index
    %get3A_832 = tpu.vector_load %arg12[%get3A_831] {strides = array<i32>} : memref<512xf32, #tpu.memory_space<vmem>>, vector<16xf32>,
    %get3A_833 = vector.shape_cast %get3A_832 : vector<16xf32> to vector<16xf32>
    %add3A_834 = arith.addf %add3A_830, %get3A_833 : vector<16xf32>
    %get3A_835 = arith.constant 304 : index
    %get3A_836 = tpu.vector_load %arg12[%get3A_835] {strides = array<i32>} : memref<512xf32, #tpu.memory_space<vmem>>, vector<16xf32>,
    %get3A_837 = vector.shape_cast %get3A_836 : vector<16xf32> to vector<16xf32>
    %add3A_838 = arith.addf %add3A_834, %get3A_837 : vector<16xf32>
    %get3A_839 = arith.constant 320 : index
    %get3A_840 = tpu.vector_load %arg12[%get3A_839] {strides = array<i32>} : memref<512xf32, #tpu.memory_space<vmem>>, vector<16xf32>,
    %get3A_841 = vector.shape_cast %get3A_840 : vector<16xf32> to vector<16xf32>
    %add3A_842 = arith.addf %add3A_838, %get3A_841 : vector<16xf32>
    %get3A_843 = arith.constant 336 : index
    %get3A_844 = tpu.vector_load %arg12[%get3A_843] {strides = array<i32>} : memref<512xf32, #tpu.memory_space<vmem>>, vector<16xf32>,
    %get3A_845 = vector.shape_cast %get3A_844 : vector<16xf32> to vector<16xf32>
    %add3A_846 = arith.addf %add3A_842, %get3A_845 : vector<16xf32>
    %get3A_847 = arith.constant 352 : index
    %get3A_848 = tpu.vector_load %arg12[%get3A_847] {strides = array<i32>} : memref<512xf32, #tpu.memory_space<vmem>>, vector<16xf32>,
    %get3A_849 = vector.shape_cast %get3A_848 : vector<16xf32> to vector<16xf32>
    %add3A_850 = arith.addf %add3A_846, %get3A_849 : vector<16xf32>
    %get3A_851 = arith.constant 368 : index
    %get3A_852 = tpu.vector_load %arg12[%get3A_851] {strides = array<i32>} : memref<512xf32, #tpu.memory_space<vmem>>, vector<16xf32>,
    %get3A_853 = vector.shape_cast %get3A_852 : vector<16xf32> to vector<16xf32>
    %add3A_854 = arith.addf %add3A_850, %get3A_853 : vector<16xf32>
    %get3A_855 = arith.constant 384 : index
    %get3A_856 = tpu.vector_load %arg12[%get3A_855] {strides = array<i32>} : memref<512xf32, #tpu.memory_space<vmem>>, vector<16xf32>,
    %get3A_857 = vector.shape_cast %get3A_856 : vector<16xf32> to vector<16xf32>
    %add3A_858 = arith.addf %add3A_854, %get3A_857 : vector<16xf32>
    %get3A_859 = arith.constant 400 : index
    %get3A_860 = tpu.vector_load %arg12[%get3A_859] {strides = array<i32>} : memref<512xf32, #tpu.memory_space<vmem>>, vector<16xf32>,
    %get3A_861 = vector.shape_cast %get3A_860 : vector<16xf32> to vector<16xf32>
    %add3A_862 = arith.addf %add3A_858, %get3A_861 : vector<16xf32>
    %get3A_863 = arith.constant 416 : index
    %get3A_864 = tpu.vector_load %arg12[%get3A_863] {strides = array<i32>} : memref<512xf32, #tpu.memory_space<vmem>>, vector<16xf32>,
    %get3A_865 = vector.shape_cast %get3A_864 : vector<16xf32> to vector<16xf32>
    %add3A_866 = arith.addf %add3A_862, %get3A_865 : vector<16xf32>
    %get3A_867 = arith.constant 432 : index
    %get3A_868 = tpu.vector_load %arg12[%get3A_867] {strides = array<i32>} : memref<512xf32, #tpu.memory_space<vmem>>, vector<16xf32>,
    %get3A_869 = vector.shape_cast %get3A_868 : vector<16xf32> to vector<16xf32>
    %add3A_870 = arith.addf %add3A_866, %get3A_869 : vector<16xf32>
    %get3A_871 = arith.constant 448 : index
    %get3A_872 = tpu.vector_load %arg12[%get3A_871] {strides = array<i32>} : memref<512xf32, #tpu.memory_space<vmem>>, vector<16xf32>,
    %get3A_873 = vector.shape_cast %get3A_872 : vector<16xf32> to vector<16xf32>
    %add3A_874 = arith.addf %add3A_870, %get3A_873 : vector<16xf32>
    %get3A_875 = arith.constant 464 : index
    %get3A_876 = tpu.vector_load %arg12[%get3A_875] {strides = array<i32>} : memref<512xf32, #tpu.memory_space<vmem>>, vector<16xf32>,
    %get3A_877 = vector.shape_cast %get3A_876 : vector<16xf32> to vector<16xf32>
    %add3A_878 = arith.addf %add3A_874, %get3A_877 : vector<16xf32>
    %get3A_879 = arith.constant 480 : index
    %get3A_880 = tpu.vector_load %arg12[%get3A_879] {strides = array<i32>} : memref<512xf32, #tpu.memory_space<vmem>>, vector<16xf32>,
    %get3A_881 = vector.shape_cast %get3A_880 : vector<16xf32> to vector<16xf32>
    %add3A_882 = arith.addf %add3A_878, %get3A_881 : vector<16xf32>
    %get3A_883 = arith.constant 496 : index
    %get3A_884 = tpu.vector_load %arg12[%get3A_883] {strides = array<i32>} : memref<512xf32, #tpu.memory_space<vmem>>, vector<16xf32>,
    %get3A_885 = vector.shape_cast %get3A_884 : vector<16xf32> to vector<16xf32>
    %add3A_886 = arith.addf %add3A_882, %get3A_885 : vector<16xf32>
    %swap3A_887 = arith.constant 1 : i32
    %swap3A_888 = arith.index_cast %swap3A_887 : i32 to index
    %swap3A_889 = arith.constant 0 : index
    %swap3A_890 = tpu.vector_load %arg15[%swap3A_888, %swap3A_889] {strides = array<i32>} : memref<2x16xf32, #tpu.memory_space<vmem>>, vector<1x16xf32>,
    %swap3A_891 = vector.shape_cast %swap3A_890 : vector<1x16xf32> to vector<16xf32>
    %swap3A_892 = vector.shape_cast %add3A_886 : vector<16xf32> to vector<1x16xf32>
    tpu.vector_store %arg15[%swap3A_888, %swap3A_889], %swap3A_892 {strides = array<i32>} : memref<2x16xf32, #tpu.memory_space<vmem>>, vector<1x16xf32>,
    %dma_wait3A_893 = arith.constant 0 : i32
    %dma_wait3A_894 = arith.constant 0 : i32
    %dma_wait3A_895 = arith.constant 0 : i32
    %dma_wait3A_896 = tpu.memref_slice %arg14[%dma_wait3A_894, %dma_wait3A_895] : memref<4x128xf32, #tpu.memory_space<vmem>> -> memref<1x128xf32, #tpu.memory_space<vmem>>
    %dma_wait3A_897 = tpu.memref_squeeze %dma_wait3A_896 : memref<1x128xf32, #tpu.memory_space<vmem>> -> memref<128xf32, #tpu.memory_space<vmem>>
    %dma_wait3A_898 = arith.constant 0 : i32
    %dma_wait3A_899 = tpu.memref_slice %arg13[%dma_wait3A_893, %dma_wait3A_898] : memref<4x128xi32, #tpu.memory_space<vmem>> -> memref<1x128xi32, #tpu.memory_space<vmem>>
    %dma_wait3A_900 = tpu.memref_squeeze %dma_wait3A_899 : memref<1x128xi32, #tpu.memory_space<vmem>> -> memref<128xi32, #tpu.memory_space<vmem>>
    %dma_wait3A_901 = arith.constant 0 : i32
    %dma_wait3A_902 = tpu.memref_slice %arg2[%dma_wait3A_901] : memref<8388608xf32, #tpu.memory_space<hbm>> -> memref<8388608xf32, #tpu.memory_space<hbm>>
    tpu.wait_indirect_dma semaphore(%arg20 : memref<!tpu.dma_semaphore, #tpu.memory_space<semaphore_mem>>) src(%dma_wait3A_902 : memref<8388608xf32, #tpu.memory_space<hbm>>) dst(%dma_wait3A_897 : memref<128xf32, #tpu.memory_space<vmem>>)
    %dma_wait3A_903 = arith.constant 1 : i32
    %dma_wait3A_904 = arith.constant 1 : i32
    %dma_wait3A_905 = arith.constant 0 : i32
    %dma_wait3A_906 = tpu.memref_slice %arg14[%dma_wait3A_904, %dma_wait3A_905] : memref<4x128xf32, #tpu.memory_space<vmem>> -> memref<1x128xf32, #tpu.memory_space<vmem>>
    %dma_wait3A_907 = tpu.memref_squeeze %dma_wait3A_906 : memref<1x128xf32, #tpu.memory_space<vmem>> -> memref<128xf32, #tpu.memory_space<vmem>>
    %dma_wait3A_908 = arith.constant 0 : i32
    %dma_wait3A_909 = tpu.memref_slice %arg13[%dma_wait3A_903, %dma_wait3A_908] : memref<4x128xi32, #tpu.memory_space<vmem>> -> memref<1x128xi32, #tpu.memory_space<vmem>>
    %dma_wait3A_910 = tpu.memref_squeeze %dma_wait3A_909 : memref<1x128xi32, #tpu.memory_space<vmem>> -> memref<128xi32, #tpu.memory_space<vmem>>
    %dma_wait3A_911 = arith.constant 0 : i32
    %dma_wait3A_912 = tpu.memref_slice %arg2[%dma_wait3A_911] : memref<8388608xf32, #tpu.memory_space<hbm>> -> memref<8388608xf32, #tpu.memory_space<hbm>>
    tpu.wait_indirect_dma semaphore(%arg20 : memref<!tpu.dma_semaphore, #tpu.memory_space<semaphore_mem>>) src(%dma_wait3A_912 : memref<8388608xf32, #tpu.memory_space<hbm>>) dst(%dma_wait3A_907 : memref<128xf32, #tpu.memory_space<vmem>>)
    %dma_wait3A_913 = arith.constant 2 : i32
    %dma_wait3A_914 = arith.constant 2 : i32
    %dma_wait3A_915 = arith.constant 0 : i32
    %dma_wait3A_916 = tpu.memref_slice %arg14[%dma_wait3A_914, %dma_wait3A_915] : memref<4x128xf32, #tpu.memory_space<vmem>> -> memref<1x128xf32, #tpu.memory_space<vmem>>
    %dma_wait3A_917 = tpu.memref_squeeze %dma_wait3A_916 : memref<1x128xf32, #tpu.memory_space<vmem>> -> memref<128xf32, #tpu.memory_space<vmem>>
    %dma_wait3A_918 = arith.constant 0 : i32
    %dma_wait3A_919 = tpu.memref_slice %arg13[%dma_wait3A_913, %dma_wait3A_918] : memref<4x128xi32, #tpu.memory_space<vmem>> -> memref<1x128xi32, #tpu.memory_space<vmem>>
    %dma_wait3A_920 = tpu.memref_squeeze %dma_wait3A_919 : memref<1x128xi32, #tpu.memory_space<vmem>> -> memref<128xi32, #tpu.memory_space<vmem>>
    %dma_wait3A_921 = arith.constant 0 : i32
    %dma_wait3A_922 = tpu.memref_slice %arg2[%dma_wait3A_921] : memref<8388608xf32, #tpu.memory_space<hbm>> -> memref<8388608xf32, #tpu.memory_space<hbm>>
    tpu.wait_indirect_dma semaphore(%arg20 : memref<!tpu.dma_semaphore, #tpu.memory_space<semaphore_mem>>) src(%dma_wait3A_922 : memref<8388608xf32, #tpu.memory_space<hbm>>) dst(%dma_wait3A_917 : memref<128xf32, #tpu.memory_space<vmem>>)
    %dma_wait3A_923 = arith.constant 3 : i32
    %dma_wait3A_924 = arith.constant 3 : i32
    %dma_wait3A_925 = arith.constant 0 : i32
    %dma_wait3A_926 = tpu.memref_slice %arg14[%dma_wait3A_924, %dma_wait3A_925] : memref<4x128xf32, #tpu.memory_space<vmem>> -> memref<1x128xf32, #tpu.memory_space<vmem>>
    %dma_wait3A_927 = tpu.memref_squeeze %dma_wait3A_926 : memref<1x128xf32, #tpu.memory_space<vmem>> -> memref<128xf32, #tpu.memory_space<vmem>>
    %dma_wait3A_928 = arith.constant 0 : i32
    %dma_wait3A_929 = tpu.memref_slice %arg13[%dma_wait3A_923, %dma_wait3A_928] : memref<4x128xi32, #tpu.memory_space<vmem>> -> memref<1x128xi32, #tpu.memory_space<vmem>>
    %dma_wait3A_930 = tpu.memref_squeeze %dma_wait3A_929 : memref<1x128xi32, #tpu.memory_space<vmem>> -> memref<128xi32, #tpu.memory_space<vmem>>
    %dma_wait3A_931 = arith.constant 0 : i32
    %dma_wait3A_932 = tpu.memref_slice %arg2[%dma_wait3A_931] : memref<8388608xf32, #tpu.memory_space<hbm>> -> memref<8388608xf32, #tpu.memory_space<hbm>>
    tpu.wait_indirect_dma semaphore(%arg20 : memref<!tpu.dma_semaphore, #tpu.memory_space<semaphore_mem>>) src(%dma_wait3A_932 : memref<8388608xf32, #tpu.memory_space<hbm>>) dst(%dma_wait3A_927 : memref<128xf32, #tpu.memory_space<vmem>>)
    %broadcast_in_dim3A_933 = arith.constant 0.000000e+00 : f32
    %broadcast_in_dim3A_934 = vector.broadcast %broadcast_in_dim3A_933 : f32 to vector<16xf32>
    %get3A_935 = arith.constant 0 : i32
    %get3A_936 = arith.index_cast %get3A_935 : i32 to index
    %get3A_937 = arith.constant 0 : index
    %get3A_938 = tpu.vector_load %arg14[%get3A_936, %get3A_937] {strides = array<i32>} : memref<4x128xf32, #tpu.memory_space<vmem>>, vector<1x16xf32>,
    %get3A_939 = vector.shape_cast %get3A_938 : vector<1x16xf32> to vector<16xf32>
    %get3A_940 = arith.constant 0 : index
    %get3A_941 = tpu.vector_load %arg12[%get3A_940] {strides = array<i32>} : memref<512xf32, #tpu.memory_space<vmem>>, vector<16xf32>,
    %get3A_942 = vector.shape_cast %get3A_941 : vector<16xf32> to vector<16xf32>
    %get3A_943 = arith.constant 0 : index
    %get3A_944 = tpu.vector_load %arg11[%get3A_943] {strides = array<i32>} : memref<512xf32, #tpu.memory_space<vmem>>, vector<16xf32>,
    %get3A_945 = vector.shape_cast %get3A_944 : vector<16xf32> to vector<16xf32>
    %mul3A_946 = arith.mulf %get3A_939, %get3A_942 : vector<16xf32>
    %mul3A_947 = arith.mulf %get3A_945, %get3A_942 : vector<16xf32>
    %sub3A = arith.subf %mul3A_946, %mul3A_947 : vector<16xf32>
    %abs3A = math.absf %sub3A : vector<16xf32>
    %add3A_948 = arith.addf %broadcast_in_dim3A_934, %abs3A : vector<16xf32>
    %get3A_949 = arith.constant 0 : i32
    %get3A_950 = arith.index_cast %get3A_949 : i32 to index
    %get3A_951 = arith.constant 16 : index
    %get3A_952 = tpu.vector_load %arg14[%get3A_950, %get3A_951] {strides = array<i32>} : memref<4x128xf32, #tpu.memory_space<vmem>>, vector<1x16xf32>,
    %get3A_953 = vector.shape_cast %get3A_952 : vector<1x16xf32> to vector<16xf32>
    %get3A_954 = arith.constant 16 : index
    %get3A_955 = tpu.vector_load %arg12[%get3A_954] {strides = array<i32>} : memref<512xf32, #tpu.memory_space<vmem>>, vector<16xf32>,
    %get3A_956 = vector.shape_cast %get3A_955 : vector<16xf32> to vector<16xf32>
    %get3A_957 = arith.constant 16 : index
    %get3A_958 = tpu.vector_load %arg11[%get3A_957] {strides = array<i32>} : memref<512xf32, #tpu.memory_space<vmem>>, vector<16xf32>,
    %get3A_959 = vector.shape_cast %get3A_958 : vector<16xf32> to vector<16xf32>
    %mul3A_960 = arith.mulf %get3A_953, %get3A_956 : vector<16xf32>
    %mul3A_961 = arith.mulf %get3A_959, %get3A_956 : vector<16xf32>
    %sub3A_962 = arith.subf %mul3A_960, %mul3A_961 : vector<16xf32>
    %abs3A_963 = math.absf %sub3A_962 : vector<16xf32>
    %add3A_964 = arith.addf %add3A_948, %abs3A_963 : vector<16xf32>
    %get3A_965 = arith.constant 0 : i32
    %get3A_966 = arith.index_cast %get3A_965 : i32 to index
    %get3A_967 = arith.constant 32 : index
    %get3A_968 = tpu.vector_load %arg14[%get3A_966, %get3A_967] {strides = array<i32>} : memref<4x128xf32, #tpu.memory_space<vmem>>, vector<1x16xf32>,
    %get3A_969 = vector.shape_cast %get3A_968 : vector<1x16xf32> to vector<16xf32>
    %get3A_970 = arith.constant 32 : index
    %get3A_971 = tpu.vector_load %arg12[%get3A_970] {strides = array<i32>} : memref<512xf32, #tpu.memory_space<vmem>>, vector<16xf32>,
    %get3A_972 = vector.shape_cast %get3A_971 : vector<16xf32> to vector<16xf32>
    %get3A_973 = arith.constant 32 : index
    %get3A_974 = tpu.vector_load %arg11[%get3A_973] {strides = array<i32>} : memref<512xf32, #tpu.memory_space<vmem>>, vector<16xf32>,
    %get3A_975 = vector.shape_cast %get3A_974 : vector<16xf32> to vector<16xf32>
    %mul3A_976 = arith.mulf %get3A_969, %get3A_972 : vector<16xf32>
    %mul3A_977 = arith.mulf %get3A_975, %get3A_972 : vector<16xf32>
    %sub3A_978 = arith.subf %mul3A_976, %mul3A_977 : vector<16xf32>
    %abs3A_979 = math.absf %sub3A_978 : vector<16xf32>
    %add3A_980 = arith.addf %add3A_964, %abs3A_979 : vector<16xf32>
    %get3A_981 = arith.constant 0 : i32
    %get3A_982 = arith.index_cast %get3A_981 : i32 to index
    %get3A_983 = arith.constant 48 : index
    %get3A_984 = tpu.vector_load %arg14[%get3A_982, %get3A_983] {strides = array<i32>} : memref<4x128xf32, #tpu.memory_space<vmem>>, vector<1x16xf32>,
    %get3A_985 = vector.shape_cast %get3A_984 : vector<1x16xf32> to vector<16xf32>
    %get3A_986 = arith.constant 48 : index
    %get3A_987 = tpu.vector_load %arg12[%get3A_986] {strides = array<i32>} : memref<512xf32, #tpu.memory_space<vmem>>, vector<16xf32>,
    %get3A_988 = vector.shape_cast %get3A_987 : vector<16xf32> to vector<16xf32>
    %get3A_989 = arith.constant 48 : index
    %get3A_990 = tpu.vector_load %arg11[%get3A_989] {strides = array<i32>} : memref<512xf32, #tpu.memory_space<vmem>>, vector<16xf32>,
    %get3A_991 = vector.shape_cast %get3A_990 : vector<16xf32> to vector<16xf32>
    %mul3A_992 = arith.mulf %get3A_985, %get3A_988 : vector<16xf32>
    %mul3A_993 = arith.mulf %get3A_991, %get3A_988 : vector<16xf32>
    %sub3A_994 = arith.subf %mul3A_992, %mul3A_993 : vector<16xf32>
    %abs3A_995 = math.absf %sub3A_994 : vector<16xf32>
    %add3A_996 = arith.addf %add3A_980, %abs3A_995 : vector<16xf32>
    %get3A_997 = arith.constant 0 : i32
    %get3A_998 = arith.index_cast %get3A_997 : i32 to index
    %get3A_999 = arith.constant 64 : index
    %get3A_1000 = tpu.vector_load %arg14[%get3A_998, %get3A_999] {strides = array<i32>} : memref<4x128xf32, #tpu.memory_space<vmem>>, vector<1x16xf32>,
    %get3A_1001 = vector.shape_cast %get3A_1000 : vector<1x16xf32> to vector<16xf32>
    %get3A_1002 = arith.constant 64 : index
    %get3A_1003 = tpu.vector_load %arg12[%get3A_1002] {strides = array<i32>} : memref<512xf32, #tpu.memory_space<vmem>>, vector<16xf32>,
    %get3A_1004 = vector.shape_cast %get3A_1003 : vector<16xf32> to vector<16xf32>
    %get3A_1005 = arith.constant 64 : index
    %get3A_1006 = tpu.vector_load %arg11[%get3A_1005] {strides = array<i32>} : memref<512xf32, #tpu.memory_space<vmem>>, vector<16xf32>,
    %get3A_1007 = vector.shape_cast %get3A_1006 : vector<16xf32> to vector<16xf32>
    %mul3A_1008 = arith.mulf %get3A_1001, %get3A_1004 : vector<16xf32>
    %mul3A_1009 = arith.mulf %get3A_1007, %get3A_1004 : vector<16xf32>
    %sub3A_1010 = arith.subf %mul3A_1008, %mul3A_1009 : vector<16xf32>
    %abs3A_1011 = math.absf %sub3A_1010 : vector<16xf32>
    %add3A_1012 = arith.addf %add3A_996, %abs3A_1011 : vector<16xf32>
    %get3A_1013 = arith.constant 0 : i32
    %get3A_1014 = arith.index_cast %get3A_1013 : i32 to index
    %get3A_1015 = arith.constant 80 : index
    %get3A_1016 = tpu.vector_load %arg14[%get3A_1014, %get3A_1015] {strides = array<i32>} : memref<4x128xf32, #tpu.memory_space<vmem>>, vector<1x16xf32>,
    %get3A_1017 = vector.shape_cast %get3A_1016 : vector<1x16xf32> to vector<16xf32>
    %get3A_1018 = arith.constant 80 : index
    %get3A_1019 = tpu.vector_load %arg12[%get3A_1018] {strides = array<i32>} : memref<512xf32, #tpu.memory_space<vmem>>, vector<16xf32>,
    %get3A_1020 = vector.shape_cast %get3A_1019 : vector<16xf32> to vector<16xf32>
    %get3A_1021 = arith.constant 80 : index
    %get3A_1022 = tpu.vector_load %arg11[%get3A_1021] {strides = array<i32>} : memref<512xf32, #tpu.memory_space<vmem>>, vector<16xf32>,
    %get3A_1023 = vector.shape_cast %get3A_1022 : vector<16xf32> to vector<16xf32>
    %mul3A_1024 = arith.mulf %get3A_1017, %get3A_1020 : vector<16xf32>
    %mul3A_1025 = arith.mulf %get3A_1023, %get3A_1020 : vector<16xf32>
    %sub3A_1026 = arith.subf %mul3A_1024, %mul3A_1025 : vector<16xf32>
    %abs3A_1027 = math.absf %sub3A_1026 : vector<16xf32>
    %add3A_1028 = arith.addf %add3A_1012, %abs3A_1027 : vector<16xf32>
    %get3A_1029 = arith.constant 0 : i32
    %get3A_1030 = arith.index_cast %get3A_1029 : i32 to index
    %get3A_1031 = arith.constant 96 : index
    %get3A_1032 = tpu.vector_load %arg14[%get3A_1030, %get3A_1031] {strides = array<i32>} : memref<4x128xf32, #tpu.memory_space<vmem>>, vector<1x16xf32>,
    %get3A_1033 = vector.shape_cast %get3A_1032 : vector<1x16xf32> to vector<16xf32>
    %get3A_1034 = arith.constant 96 : index
    %get3A_1035 = tpu.vector_load %arg12[%get3A_1034] {strides = array<i32>} : memref<512xf32, #tpu.memory_space<vmem>>, vector<16xf32>,
    %get3A_1036 = vector.shape_cast %get3A_1035 : vector<16xf32> to vector<16xf32>
    %get3A_1037 = arith.constant 96 : index
    %get3A_1038 = tpu.vector_load %arg11[%get3A_1037] {strides = array<i32>} : memref<512xf32, #tpu.memory_space<vmem>>, vector<16xf32>,
    %get3A_1039 = vector.shape_cast %get3A_1038 : vector<16xf32> to vector<16xf32>
    %mul3A_1040 = arith.mulf %get3A_1033, %get3A_1036 : vector<16xf32>
    %mul3A_1041 = arith.mulf %get3A_1039, %get3A_1036 : vector<16xf32>
    %sub3A_1042 = arith.subf %mul3A_1040, %mul3A_1041 : vector<16xf32>
    %abs3A_1043 = math.absf %sub3A_1042 : vector<16xf32>
    %add3A_1044 = arith.addf %add3A_1028, %abs3A_1043 : vector<16xf32>
    %get3A_1045 = arith.constant 0 : i32
    %get3A_1046 = arith.index_cast %get3A_1045 : i32 to index
    %get3A_1047 = arith.constant 112 : index
    %get3A_1048 = tpu.vector_load %arg14[%get3A_1046, %get3A_1047] {strides = array<i32>} : memref<4x128xf32, #tpu.memory_space<vmem>>, vector<1x16xf32>,
    %get3A_1049 = vector.shape_cast %get3A_1048 : vector<1x16xf32> to vector<16xf32>
    %get3A_1050 = arith.constant 112 : index
    %get3A_1051 = tpu.vector_load %arg12[%get3A_1050] {strides = array<i32>} : memref<512xf32, #tpu.memory_space<vmem>>, vector<16xf32>,
    %get3A_1052 = vector.shape_cast %get3A_1051 : vector<16xf32> to vector<16xf32>
    %get3A_1053 = arith.constant 112 : index
    %get3A_1054 = tpu.vector_load %arg11[%get3A_1053] {strides = array<i32>} : memref<512xf32, #tpu.memory_space<vmem>>, vector<16xf32>,
    %get3A_1055 = vector.shape_cast %get3A_1054 : vector<16xf32> to vector<16xf32>
    %mul3A_1056 = arith.mulf %get3A_1049, %get3A_1052 : vector<16xf32>
    %mul3A_1057 = arith.mulf %get3A_1055, %get3A_1052 : vector<16xf32>
    %sub3A_1058 = arith.subf %mul3A_1056, %mul3A_1057 : vector<16xf32>
    %abs3A_1059 = math.absf %sub3A_1058 : vector<16xf32>
    %add3A_1060 = arith.addf %add3A_1044, %abs3A_1059 : vector<16xf32>
    %get3A_1061 = arith.constant 1 : i32
    %get3A_1062 = arith.index_cast %get3A_1061 : i32 to index
    %get3A_1063 = arith.constant 0 : index
    %get3A_1064 = tpu.vector_load %arg14[%get3A_1062, %get3A_1063] {strides = array<i32>} : memref<4x128xf32, #tpu.memory_space<vmem>>, vector<1x16xf32>,
    %get3A_1065 = vector.shape_cast %get3A_1064 : vector<1x16xf32> to vector<16xf32>
    %get3A_1066 = arith.constant 128 : index
    %get3A_1067 = tpu.vector_load %arg12[%get3A_1066] {strides = array<i32>} : memref<512xf32, #tpu.memory_space<vmem>>, vector<16xf32>,
    %get3A_1068 = vector.shape_cast %get3A_1067 : vector<16xf32> to vector<16xf32>
    %get3A_1069 = arith.constant 128 : index
    %get3A_1070 = tpu.vector_load %arg11[%get3A_1069] {strides = array<i32>} : memref<512xf32, #tpu.memory_space<vmem>>, vector<16xf32>,
    %get3A_1071 = vector.shape_cast %get3A_1070 : vector<16xf32> to vector<16xf32>
    %mul3A_1072 = arith.mulf %get3A_1065, %get3A_1068 : vector<16xf32>
    %mul3A_1073 = arith.mulf %get3A_1071, %get3A_1068 : vector<16xf32>
    %sub3A_1074 = arith.subf %mul3A_1072, %mul3A_1073 : vector<16xf32>
    %abs3A_1075 = math.absf %sub3A_1074 : vector<16xf32>
    %add3A_1076 = arith.addf %add3A_1060, %abs3A_1075 : vector<16xf32>
    %get3A_1077 = arith.constant 1 : i32
    %get3A_1078 = arith.index_cast %get3A_1077 : i32 to index
    %get3A_1079 = arith.constant 16 : index
    %get3A_1080 = tpu.vector_load %arg14[%get3A_1078, %get3A_1079] {strides = array<i32>} : memref<4x128xf32, #tpu.memory_space<vmem>>, vector<1x16xf32>,
    %get3A_1081 = vector.shape_cast %get3A_1080 : vector<1x16xf32> to vector<16xf32>
    %get3A_1082 = arith.constant 144 : index
    %get3A_1083 = tpu.vector_load %arg12[%get3A_1082] {strides = array<i32>} : memref<512xf32, #tpu.memory_space<vmem>>, vector<16xf32>,
    %get3A_1084 = vector.shape_cast %get3A_1083 : vector<16xf32> to vector<16xf32>
    %get3A_1085 = arith.constant 144 : index
    %get3A_1086 = tpu.vector_load %arg11[%get3A_1085] {strides = array<i32>} : memref<512xf32, #tpu.memory_space<vmem>>, vector<16xf32>,
    %get3A_1087 = vector.shape_cast %get3A_1086 : vector<16xf32> to vector<16xf32>
    %mul3A_1088 = arith.mulf %get3A_1081, %get3A_1084 : vector<16xf32>
    %mul3A_1089 = arith.mulf %get3A_1087, %get3A_1084 : vector<16xf32>
    %sub3A_1090 = arith.subf %mul3A_1088, %mul3A_1089 : vector<16xf32>
    %abs3A_1091 = math.absf %sub3A_1090 : vector<16xf32>
    %add3A_1092 = arith.addf %add3A_1076, %abs3A_1091 : vector<16xf32>
    %get3A_1093 = arith.constant 1 : i32
    %get3A_1094 = arith.index_cast %get3A_1093 : i32 to index
    %get3A_1095 = arith.constant 32 : index
    %get3A_1096 = tpu.vector_load %arg14[%get3A_1094, %get3A_1095] {strides = array<i32>} : memref<4x128xf32, #tpu.memory_space<vmem>>, vector<1x16xf32>,
    %get3A_1097 = vector.shape_cast %get3A_1096 : vector<1x16xf32> to vector<16xf32>
    %get3A_1098 = arith.constant 160 : index
    %get3A_1099 = tpu.vector_load %arg12[%get3A_1098] {strides = array<i32>} : memref<512xf32, #tpu.memory_space<vmem>>, vector<16xf32>,
    %get3A_1100 = vector.shape_cast %get3A_1099 : vector<16xf32> to vector<16xf32>
    %get3A_1101 = arith.constant 160 : index
    %get3A_1102 = tpu.vector_load %arg11[%get3A_1101] {strides = array<i32>} : memref<512xf32, #tpu.memory_space<vmem>>, vector<16xf32>,
    %get3A_1103 = vector.shape_cast %get3A_1102 : vector<16xf32> to vector<16xf32>
    %mul3A_1104 = arith.mulf %get3A_1097, %get3A_1100 : vector<16xf32>
    %mul3A_1105 = arith.mulf %get3A_1103, %get3A_1100 : vector<16xf32>
    %sub3A_1106 = arith.subf %mul3A_1104, %mul3A_1105 : vector<16xf32>
    %abs3A_1107 = math.absf %sub3A_1106 : vector<16xf32>
    %add3A_1108 = arith.addf %add3A_1092, %abs3A_1107 : vector<16xf32>
    %get3A_1109 = arith.constant 1 : i32
    %get3A_1110 = arith.index_cast %get3A_1109 : i32 to index
    %get3A_1111 = arith.constant 48 : index
    %get3A_1112 = tpu.vector_load %arg14[%get3A_1110, %get3A_1111] {strides = array<i32>} : memref<4x128xf32, #tpu.memory_space<vmem>>, vector<1x16xf32>,
    %get3A_1113 = vector.shape_cast %get3A_1112 : vector<1x16xf32> to vector<16xf32>
    %get3A_1114 = arith.constant 176 : index
    %get3A_1115 = tpu.vector_load %arg12[%get3A_1114] {strides = array<i32>} : memref<512xf32, #tpu.memory_space<vmem>>, vector<16xf32>,
    %get3A_1116 = vector.shape_cast %get3A_1115 : vector<16xf32> to vector<16xf32>
    %get3A_1117 = arith.constant 176 : index
    %get3A_1118 = tpu.vector_load %arg11[%get3A_1117] {strides = array<i32>} : memref<512xf32, #tpu.memory_space<vmem>>, vector<16xf32>,
    %get3A_1119 = vector.shape_cast %get3A_1118 : vector<16xf32> to vector<16xf32>
    %mul3A_1120 = arith.mulf %get3A_1113, %get3A_1116 : vector<16xf32>
    %mul3A_1121 = arith.mulf %get3A_1119, %get3A_1116 : vector<16xf32>
    %sub3A_1122 = arith.subf %mul3A_1120, %mul3A_1121 : vector<16xf32>
    %abs3A_1123 = math.absf %sub3A_1122 : vector<16xf32>
    %add3A_1124 = arith.addf %add3A_1108, %abs3A_1123 : vector<16xf32>
    %get3A_1125 = arith.constant 1 : i32
    %get3A_1126 = arith.index_cast %get3A_1125 : i32 to index
    %get3A_1127 = arith.constant 64 : index
    %get3A_1128 = tpu.vector_load %arg14[%get3A_1126, %get3A_1127] {strides = array<i32>} : memref<4x128xf32, #tpu.memory_space<vmem>>, vector<1x16xf32>,
    %get3A_1129 = vector.shape_cast %get3A_1128 : vector<1x16xf32> to vector<16xf32>
    %get3A_1130 = arith.constant 192 : index
    %get3A_1131 = tpu.vector_load %arg12[%get3A_1130] {strides = array<i32>} : memref<512xf32, #tpu.memory_space<vmem>>, vector<16xf32>,
    %get3A_1132 = vector.shape_cast %get3A_1131 : vector<16xf32> to vector<16xf32>
    %get3A_1133 = arith.constant 192 : index
    %get3A_1134 = tpu.vector_load %arg11[%get3A_1133] {strides = array<i32>} : memref<512xf32, #tpu.memory_space<vmem>>, vector<16xf32>,
    %get3A_1135 = vector.shape_cast %get3A_1134 : vector<16xf32> to vector<16xf32>
    %mul3A_1136 = arith.mulf %get3A_1129, %get3A_1132 : vector<16xf32>
    %mul3A_1137 = arith.mulf %get3A_1135, %get3A_1132 : vector<16xf32>
    %sub3A_1138 = arith.subf %mul3A_1136, %mul3A_1137 : vector<16xf32>
    %abs3A_1139 = math.absf %sub3A_1138 : vector<16xf32>
    %add3A_1140 = arith.addf %add3A_1124, %abs3A_1139 : vector<16xf32>
    %get3A_1141 = arith.constant 1 : i32
    %get3A_1142 = arith.index_cast %get3A_1141 : i32 to index
    %get3A_1143 = arith.constant 80 : index
    %get3A_1144 = tpu.vector_load %arg14[%get3A_1142, %get3A_1143] {strides = array<i32>} : memref<4x128xf32, #tpu.memory_space<vmem>>, vector<1x16xf32>,
    %get3A_1145 = vector.shape_cast %get3A_1144 : vector<1x16xf32> to vector<16xf32>
    %get3A_1146 = arith.constant 208 : index
    %get3A_1147 = tpu.vector_load %arg12[%get3A_1146] {strides = array<i32>} : memref<512xf32, #tpu.memory_space<vmem>>, vector<16xf32>,
    %get3A_1148 = vector.shape_cast %get3A_1147 : vector<16xf32> to vector<16xf32>
    %get3A_1149 = arith.constant 208 : index
    %get3A_1150 = tpu.vector_load %arg11[%get3A_1149] {strides = array<i32>} : memref<512xf32, #tpu.memory_space<vmem>>, vector<16xf32>,
    %get3A_1151 = vector.shape_cast %get3A_1150 : vector<16xf32> to vector<16xf32>
    %mul3A_1152 = arith.mulf %get3A_1145, %get3A_1148 : vector<16xf32>
    %mul3A_1153 = arith.mulf %get3A_1151, %get3A_1148 : vector<16xf32>
    %sub3A_1154 = arith.subf %mul3A_1152, %mul3A_1153 : vector<16xf32>
    %abs3A_1155 = math.absf %sub3A_1154 : vector<16xf32>
    %add3A_1156 = arith.addf %add3A_1140, %abs3A_1155 : vector<16xf32>
    %get3A_1157 = arith.constant 1 : i32
    %get3A_1158 = arith.index_cast %get3A_1157 : i32 to index
    %get3A_1159 = arith.constant 96 : index
    %get3A_1160 = tpu.vector_load %arg14[%get3A_1158, %get3A_1159] {strides = array<i32>} : memref<4x128xf32, #tpu.memory_space<vmem>>, vector<1x16xf32>,
    %get3A_1161 = vector.shape_cast %get3A_1160 : vector<1x16xf32> to vector<16xf32>
    %get3A_1162 = arith.constant 224 : index
    %get3A_1163 = tpu.vector_load %arg12[%get3A_1162] {strides = array<i32>} : memref<512xf32, #tpu.memory_space<vmem>>, vector<16xf32>,
    %get3A_1164 = vector.shape_cast %get3A_1163 : vector<16xf32> to vector<16xf32>
    %get3A_1165 = arith.constant 224 : index
    %get3A_1166 = tpu.vector_load %arg11[%get3A_1165] {strides = array<i32>} : memref<512xf32, #tpu.memory_space<vmem>>, vector<16xf32>,
    %get3A_1167 = vector.shape_cast %get3A_1166 : vector<16xf32> to vector<16xf32>
    %mul3A_1168 = arith.mulf %get3A_1161, %get3A_1164 : vector<16xf32>
    %mul3A_1169 = arith.mulf %get3A_1167, %get3A_1164 : vector<16xf32>
    %sub3A_1170 = arith.subf %mul3A_1168, %mul3A_1169 : vector<16xf32>
    %abs3A_1171 = math.absf %sub3A_1170 : vector<16xf32>
    %add3A_1172 = arith.addf %add3A_1156, %abs3A_1171 : vector<16xf32>
    %get3A_1173 = arith.constant 1 : i32
    %get3A_1174 = arith.index_cast %get3A_1173 : i32 to index
    %get3A_1175 = arith.constant 112 : index
    %get3A_1176 = tpu.vector_load %arg14[%get3A_1174, %get3A_1175] {strides = array<i32>} : memref<4x128xf32, #tpu.memory_space<vmem>>, vector<1x16xf32>,
    %get3A_1177 = vector.shape_cast %get3A_1176 : vector<1x16xf32> to vector<16xf32>
    %get3A_1178 = arith.constant 240 : index
    %get3A_1179 = tpu.vector_load %arg12[%get3A_1178] {strides = array<i32>} : memref<512xf32, #tpu.memory_space<vmem>>, vector<16xf32>,
    %get3A_1180 = vector.shape_cast %get3A_1179 : vector<16xf32> to vector<16xf32>
    %get3A_1181 = arith.constant 240 : index
    %get3A_1182 = tpu.vector_load %arg11[%get3A_1181] {strides = array<i32>} : memref<512xf32, #tpu.memory_space<vmem>>, vector<16xf32>,
    %get3A_1183 = vector.shape_cast %get3A_1182 : vector<16xf32> to vector<16xf32>
    %mul3A_1184 = arith.mulf %get3A_1177, %get3A_1180 : vector<16xf32>
    %mul3A_1185 = arith.mulf %get3A_1183, %get3A_1180 : vector<16xf32>
    %sub3A_1186 = arith.subf %mul3A_1184, %mul3A_1185 : vector<16xf32>
    %abs3A_1187 = math.absf %sub3A_1186 : vector<16xf32>
    %add3A_1188 = arith.addf %add3A_1172, %abs3A_1187 : vector<16xf32>
    %get3A_1189 = arith.constant 2 : i32
    %get3A_1190 = arith.index_cast %get3A_1189 : i32 to index
    %get3A_1191 = arith.constant 0 : index
    %get3A_1192 = tpu.vector_load %arg14[%get3A_1190, %get3A_1191] {strides = array<i32>} : memref<4x128xf32, #tpu.memory_space<vmem>>, vector<1x16xf32>,
    %get3A_1193 = vector.shape_cast %get3A_1192 : vector<1x16xf32> to vector<16xf32>
    %get3A_1194 = arith.constant 256 : index
    %get3A_1195 = tpu.vector_load %arg12[%get3A_1194] {strides = array<i32>} : memref<512xf32, #tpu.memory_space<vmem>>, vector<16xf32>,
    %get3A_1196 = vector.shape_cast %get3A_1195 : vector<16xf32> to vector<16xf32>
    %get3A_1197 = arith.constant 256 : index
    %get3A_1198 = tpu.vector_load %arg11[%get3A_1197] {strides = array<i32>} : memref<512xf32, #tpu.memory_space<vmem>>, vector<16xf32>,
    %get3A_1199 = vector.shape_cast %get3A_1198 : vector<16xf32> to vector<16xf32>
    %mul3A_1200 = arith.mulf %get3A_1193, %get3A_1196 : vector<16xf32>
    %mul3A_1201 = arith.mulf %get3A_1199, %get3A_1196 : vector<16xf32>
    %sub3A_1202 = arith.subf %mul3A_1200, %mul3A_1201 : vector<16xf32>
    %abs3A_1203 = math.absf %sub3A_1202 : vector<16xf32>
    %add3A_1204 = arith.addf %add3A_1188, %abs3A_1203 : vector<16xf32>
    %get3A_1205 = arith.constant 2 : i32
    %get3A_1206 = arith.index_cast %get3A_1205 : i32 to index
    %get3A_1207 = arith.constant 16 : index
    %get3A_1208 = tpu.vector_load %arg14[%get3A_1206, %get3A_1207] {strides = array<i32>} : memref<4x128xf32, #tpu.memory_space<vmem>>, vector<1x16xf32>,
    %get3A_1209 = vector.shape_cast %get3A_1208 : vector<1x16xf32> to vector<16xf32>
    %get3A_1210 = arith.constant 272 : index
    %get3A_1211 = tpu.vector_load %arg12[%get3A_1210] {strides = array<i32>} : memref<512xf32, #tpu.memory_space<vmem>>, vector<16xf32>,
    %get3A_1212 = vector.shape_cast %get3A_1211 : vector<16xf32> to vector<16xf32>
    %get3A_1213 = arith.constant 272 : index
    %get3A_1214 = tpu.vector_load %arg11[%get3A_1213] {strides = array<i32>} : memref<512xf32, #tpu.memory_space<vmem>>, vector<16xf32>,
    %get3A_1215 = vector.shape_cast %get3A_1214 : vector<16xf32> to vector<16xf32>
    %mul3A_1216 = arith.mulf %get3A_1209, %get3A_1212 : vector<16xf32>
    %mul3A_1217 = arith.mulf %get3A_1215, %get3A_1212 : vector<16xf32>
    %sub3A_1218 = arith.subf %mul3A_1216, %mul3A_1217 : vector<16xf32>
    %abs3A_1219 = math.absf %sub3A_1218 : vector<16xf32>
    %add3A_1220 = arith.addf %add3A_1204, %abs3A_1219 : vector<16xf32>
    %get3A_1221 = arith.constant 2 : i32
    %get3A_1222 = arith.index_cast %get3A_1221 : i32 to index
    %get3A_1223 = arith.constant 32 : index
    %get3A_1224 = tpu.vector_load %arg14[%get3A_1222, %get3A_1223] {strides = array<i32>} : memref<4x128xf32, #tpu.memory_space<vmem>>, vector<1x16xf32>,
    %get3A_1225 = vector.shape_cast %get3A_1224 : vector<1x16xf32> to vector<16xf32>
    %get3A_1226 = arith.constant 288 : index
    %get3A_1227 = tpu.vector_load %arg12[%get3A_1226] {strides = array<i32>} : memref<512xf32, #tpu.memory_space<vmem>>, vector<16xf32>,
    %get3A_1228 = vector.shape_cast %get3A_1227 : vector<16xf32> to vector<16xf32>
    %get3A_1229 = arith.constant 288 : index
    %get3A_1230 = tpu.vector_load %arg11[%get3A_1229] {strides = array<i32>} : memref<512xf32, #tpu.memory_space<vmem>>, vector<16xf32>,
    %get3A_1231 = vector.shape_cast %get3A_1230 : vector<16xf32> to vector<16xf32>
    %mul3A_1232 = arith.mulf %get3A_1225, %get3A_1228 : vector<16xf32>
    %mul3A_1233 = arith.mulf %get3A_1231, %get3A_1228 : vector<16xf32>
    %sub3A_1234 = arith.subf %mul3A_1232, %mul3A_1233 : vector<16xf32>
    %abs3A_1235 = math.absf %sub3A_1234 : vector<16xf32>
    %add3A_1236 = arith.addf %add3A_1220, %abs3A_1235 : vector<16xf32>
    %get3A_1237 = arith.constant 2 : i32
    %get3A_1238 = arith.index_cast %get3A_1237 : i32 to index
    %get3A_1239 = arith.constant 48 : index
    %get3A_1240 = tpu.vector_load %arg14[%get3A_1238, %get3A_1239] {strides = array<i32>} : memref<4x128xf32, #tpu.memory_space<vmem>>, vector<1x16xf32>,
    %get3A_1241 = vector.shape_cast %get3A_1240 : vector<1x16xf32> to vector<16xf32>
    %get3A_1242 = arith.constant 304 : index
    %get3A_1243 = tpu.vector_load %arg12[%get3A_1242] {strides = array<i32>} : memref<512xf32, #tpu.memory_space<vmem>>, vector<16xf32>,
    %get3A_1244 = vector.shape_cast %get3A_1243 : vector<16xf32> to vector<16xf32>
    %get3A_1245 = arith.constant 304 : index
    %get3A_1246 = tpu.vector_load %arg11[%get3A_1245] {strides = array<i32>} : memref<512xf32, #tpu.memory_space<vmem>>, vector<16xf32>,
    %get3A_1247 = vector.shape_cast %get3A_1246 : vector<16xf32> to vector<16xf32>
    %mul3A_1248 = arith.mulf %get3A_1241, %get3A_1244 : vector<16xf32>
    %mul3A_1249 = arith.mulf %get3A_1247, %get3A_1244 : vector<16xf32>
    %sub3A_1250 = arith.subf %mul3A_1248, %mul3A_1249 : vector<16xf32>
    %abs3A_1251 = math.absf %sub3A_1250 : vector<16xf32>
    %add3A_1252 = arith.addf %add3A_1236, %abs3A_1251 : vector<16xf32>
    %get3A_1253 = arith.constant 2 : i32
    %get3A_1254 = arith.index_cast %get3A_1253 : i32 to index
    %get3A_1255 = arith.constant 64 : index
    %get3A_1256 = tpu.vector_load %arg14[%get3A_1254, %get3A_1255] {strides = array<i32>} : memref<4x128xf32, #tpu.memory_space<vmem>>, vector<1x16xf32>,
    %get3A_1257 = vector.shape_cast %get3A_1256 : vector<1x16xf32> to vector<16xf32>
    %get3A_1258 = arith.constant 320 : index
    %get3A_1259 = tpu.vector_load %arg12[%get3A_1258] {strides = array<i32>} : memref<512xf32, #tpu.memory_space<vmem>>, vector<16xf32>,
    %get3A_1260 = vector.shape_cast %get3A_1259 : vector<16xf32> to vector<16xf32>
    %get3A_1261 = arith.constant 320 : index
    %get3A_1262 = tpu.vector_load %arg11[%get3A_1261] {strides = array<i32>} : memref<512xf32, #tpu.memory_space<vmem>>, vector<16xf32>,
    %get3A_1263 = vector.shape_cast %get3A_1262 : vector<16xf32> to vector<16xf32>
    %mul3A_1264 = arith.mulf %get3A_1257, %get3A_1260 : vector<16xf32>
    %mul3A_1265 = arith.mulf %get3A_1263, %get3A_1260 : vector<16xf32>
    %sub3A_1266 = arith.subf %mul3A_1264, %mul3A_1265 : vector<16xf32>
    %abs3A_1267 = math.absf %sub3A_1266 : vector<16xf32>
    %add3A_1268 = arith.addf %add3A_1252, %abs3A_1267 : vector<16xf32>
    %get3A_1269 = arith.constant 2 : i32
    %get3A_1270 = arith.index_cast %get3A_1269 : i32 to index
    %get3A_1271 = arith.constant 80 : index
    %get3A_1272 = tpu.vector_load %arg14[%get3A_1270, %get3A_1271] {strides = array<i32>} : memref<4x128xf32, #tpu.memory_space<vmem>>, vector<1x16xf32>,
    %get3A_1273 = vector.shape_cast %get3A_1272 : vector<1x16xf32> to vector<16xf32>
    %get3A_1274 = arith.constant 336 : index
    %get3A_1275 = tpu.vector_load %arg12[%get3A_1274] {strides = array<i32>} : memref<512xf32, #tpu.memory_space<vmem>>, vector<16xf32>,
    %get3A_1276 = vector.shape_cast %get3A_1275 : vector<16xf32> to vector<16xf32>
    %get3A_1277 = arith.constant 336 : index
    %get3A_1278 = tpu.vector_load %arg11[%get3A_1277] {strides = array<i32>} : memref<512xf32, #tpu.memory_space<vmem>>, vector<16xf32>,
    %get3A_1279 = vector.shape_cast %get3A_1278 : vector<16xf32> to vector<16xf32>
    %mul3A_1280 = arith.mulf %get3A_1273, %get3A_1276 : vector<16xf32>
    %mul3A_1281 = arith.mulf %get3A_1279, %get3A_1276 : vector<16xf32>
    %sub3A_1282 = arith.subf %mul3A_1280, %mul3A_1281 : vector<16xf32>
    %abs3A_1283 = math.absf %sub3A_1282 : vector<16xf32>
    %add3A_1284 = arith.addf %add3A_1268, %abs3A_1283 : vector<16xf32>
    %get3A_1285 = arith.constant 2 : i32
    %get3A_1286 = arith.index_cast %get3A_1285 : i32 to index
    %get3A_1287 = arith.constant 96 : index
    %get3A_1288 = tpu.vector_load %arg14[%get3A_1286, %get3A_1287] {strides = array<i32>} : memref<4x128xf32, #tpu.memory_space<vmem>>, vector<1x16xf32>,
    %get3A_1289 = vector.shape_cast %get3A_1288 : vector<1x16xf32> to vector<16xf32>
    %get3A_1290 = arith.constant 352 : index
    %get3A_1291 = tpu.vector_load %arg12[%get3A_1290] {strides = array<i32>} : memref<512xf32, #tpu.memory_space<vmem>>, vector<16xf32>,
    %get3A_1292 = vector.shape_cast %get3A_1291 : vector<16xf32> to vector<16xf32>
    %get3A_1293 = arith.constant 352 : index
    %get3A_1294 = tpu.vector_load %arg11[%get3A_1293] {strides = array<i32>} : memref<512xf32, #tpu.memory_space<vmem>>, vector<16xf32>,
    %get3A_1295 = vector.shape_cast %get3A_1294 : vector<16xf32> to vector<16xf32>
    %mul3A_1296 = arith.mulf %get3A_1289, %get3A_1292 : vector<16xf32>
    %mul3A_1297 = arith.mulf %get3A_1295, %get3A_1292 : vector<16xf32>
    %sub3A_1298 = arith.subf %mul3A_1296, %mul3A_1297 : vector<16xf32>
    %abs3A_1299 = math.absf %sub3A_1298 : vector<16xf32>
    %add3A_1300 = arith.addf %add3A_1284, %abs3A_1299 : vector<16xf32>
    %get3A_1301 = arith.constant 2 : i32
    %get3A_1302 = arith.index_cast %get3A_1301 : i32 to index
    %get3A_1303 = arith.constant 112 : index
    %get3A_1304 = tpu.vector_load %arg14[%get3A_1302, %get3A_1303] {strides = array<i32>} : memref<4x128xf32, #tpu.memory_space<vmem>>, vector<1x16xf32>,
    %get3A_1305 = vector.shape_cast %get3A_1304 : vector<1x16xf32> to vector<16xf32>
    %get3A_1306 = arith.constant 368 : index
    %get3A_1307 = tpu.vector_load %arg12[%get3A_1306] {strides = array<i32>} : memref<512xf32, #tpu.memory_space<vmem>>, vector<16xf32>,
    %get3A_1308 = vector.shape_cast %get3A_1307 : vector<16xf32> to vector<16xf32>
    %get3A_1309 = arith.constant 368 : index
    %get3A_1310 = tpu.vector_load %arg11[%get3A_1309] {strides = array<i32>} : memref<512xf32, #tpu.memory_space<vmem>>, vector<16xf32>,
    %get3A_1311 = vector.shape_cast %get3A_1310 : vector<16xf32> to vector<16xf32>
    %mul3A_1312 = arith.mulf %get3A_1305, %get3A_1308 : vector<16xf32>
    %mul3A_1313 = arith.mulf %get3A_1311, %get3A_1308 : vector<16xf32>
    %sub3A_1314 = arith.subf %mul3A_1312, %mul3A_1313 : vector<16xf32>
    %abs3A_1315 = math.absf %sub3A_1314 : vector<16xf32>
    %add3A_1316 = arith.addf %add3A_1300, %abs3A_1315 : vector<16xf32>
    %get3A_1317 = arith.constant 3 : i32
    %get3A_1318 = arith.index_cast %get3A_1317 : i32 to index
    %get3A_1319 = arith.constant 0 : index
    %get3A_1320 = tpu.vector_load %arg14[%get3A_1318, %get3A_1319] {strides = array<i32>} : memref<4x128xf32, #tpu.memory_space<vmem>>, vector<1x16xf32>,
    %get3A_1321 = vector.shape_cast %get3A_1320 : vector<1x16xf32> to vector<16xf32>
    %get3A_1322 = arith.constant 384 : index
    %get3A_1323 = tpu.vector_load %arg12[%get3A_1322] {strides = array<i32>} : memref<512xf32, #tpu.memory_space<vmem>>, vector<16xf32>,
    %get3A_1324 = vector.shape_cast %get3A_1323 : vector<16xf32> to vector<16xf32>
    %get3A_1325 = arith.constant 384 : index
    %get3A_1326 = tpu.vector_load %arg11[%get3A_1325] {strides = array<i32>} : memref<512xf32, #tpu.memory_space<vmem>>, vector<16xf32>,
    %get3A_1327 = vector.shape_cast %get3A_1326 : vector<16xf32> to vector<16xf32>
    %mul3A_1328 = arith.mulf %get3A_1321, %get3A_1324 : vector<16xf32>
    %mul3A_1329 = arith.mulf %get3A_1327, %get3A_1324 : vector<16xf32>
    %sub3A_1330 = arith.subf %mul3A_1328, %mul3A_1329 : vector<16xf32>
    %abs3A_1331 = math.absf %sub3A_1330 : vector<16xf32>
    %add3A_1332 = arith.addf %add3A_1316, %abs3A_1331 : vector<16xf32>
    %get3A_1333 = arith.constant 3 : i32
    %get3A_1334 = arith.index_cast %get3A_1333 : i32 to index
    %get3A_1335 = arith.constant 16 : index
    %get3A_1336 = tpu.vector_load %arg14[%get3A_1334, %get3A_1335] {strides = array<i32>} : memref<4x128xf32, #tpu.memory_space<vmem>>, vector<1x16xf32>,
    %get3A_1337 = vector.shape_cast %get3A_1336 : vector<1x16xf32> to vector<16xf32>
    %get3A_1338 = arith.constant 400 : index
    %get3A_1339 = tpu.vector_load %arg12[%get3A_1338] {strides = array<i32>} : memref<512xf32, #tpu.memory_space<vmem>>, vector<16xf32>,
    %get3A_1340 = vector.shape_cast %get3A_1339 : vector<16xf32> to vector<16xf32>
    %get3A_1341 = arith.constant 400 : index
    %get3A_1342 = tpu.vector_load %arg11[%get3A_1341] {strides = array<i32>} : memref<512xf32, #tpu.memory_space<vmem>>, vector<16xf32>,
    %get3A_1343 = vector.shape_cast %get3A_1342 : vector<16xf32> to vector<16xf32>
    %mul3A_1344 = arith.mulf %get3A_1337, %get3A_1340 : vector<16xf32>
    %mul3A_1345 = arith.mulf %get3A_1343, %get3A_1340 : vector<16xf32>
    %sub3A_1346 = arith.subf %mul3A_1344, %mul3A_1345 : vector<16xf32>
    %abs3A_1347 = math.absf %sub3A_1346 : vector<16xf32>
    %add3A_1348 = arith.addf %add3A_1332, %abs3A_1347 : vector<16xf32>
    %get3A_1349 = arith.constant 3 : i32
    %get3A_1350 = arith.index_cast %get3A_1349 : i32 to index
    %get3A_1351 = arith.constant 32 : index
    %get3A_1352 = tpu.vector_load %arg14[%get3A_1350, %get3A_1351] {strides = array<i32>} : memref<4x128xf32, #tpu.memory_space<vmem>>, vector<1x16xf32>,
    %get3A_1353 = vector.shape_cast %get3A_1352 : vector<1x16xf32> to vector<16xf32>
    %get3A_1354 = arith.constant 416 : index
    %get3A_1355 = tpu.vector_load %arg12[%get3A_1354] {strides = array<i32>} : memref<512xf32, #tpu.memory_space<vmem>>, vector<16xf32>,
    %get3A_1356 = vector.shape_cast %get3A_1355 : vector<16xf32> to vector<16xf32>
    %get3A_1357 = arith.constant 416 : index
    %get3A_1358 = tpu.vector_load %arg11[%get3A_1357] {strides = array<i32>} : memref<512xf32, #tpu.memory_space<vmem>>, vector<16xf32>,
    %get3A_1359 = vector.shape_cast %get3A_1358 : vector<16xf32> to vector<16xf32>
    %mul3A_1360 = arith.mulf %get3A_1353, %get3A_1356 : vector<16xf32>
    %mul3A_1361 = arith.mulf %get3A_1359, %get3A_1356 : vector<16xf32>
    %sub3A_1362 = arith.subf %mul3A_1360, %mul3A_1361 : vector<16xf32>
    %abs3A_1363 = math.absf %sub3A_1362 : vector<16xf32>
    %add3A_1364 = arith.addf %add3A_1348, %abs3A_1363 : vector<16xf32>
    %get3A_1365 = arith.constant 3 : i32
    %get3A_1366 = arith.index_cast %get3A_1365 : i32 to index
    %get3A_1367 = arith.constant 48 : index
    %get3A_1368 = tpu.vector_load %arg14[%get3A_1366, %get3A_1367] {strides = array<i32>} : memref<4x128xf32, #tpu.memory_space<vmem>>, vector<1x16xf32>,
    %get3A_1369 = vector.shape_cast %get3A_1368 : vector<1x16xf32> to vector<16xf32>
    %get3A_1370 = arith.constant 432 : index
    %get3A_1371 = tpu.vector_load %arg12[%get3A_1370] {strides = array<i32>} : memref<512xf32, #tpu.memory_space<vmem>>, vector<16xf32>,
    %get3A_1372 = vector.shape_cast %get3A_1371 : vector<16xf32> to vector<16xf32>
    %get3A_1373 = arith.constant 432 : index
    %get3A_1374 = tpu.vector_load %arg11[%get3A_1373] {strides = array<i32>} : memref<512xf32, #tpu.memory_space<vmem>>, vector<16xf32>,
    %get3A_1375 = vector.shape_cast %get3A_1374 : vector<16xf32> to vector<16xf32>
    %mul3A_1376 = arith.mulf %get3A_1369, %get3A_1372 : vector<16xf32>
    %mul3A_1377 = arith.mulf %get3A_1375, %get3A_1372 : vector<16xf32>
    %sub3A_1378 = arith.subf %mul3A_1376, %mul3A_1377 : vector<16xf32>
    %abs3A_1379 = math.absf %sub3A_1378 : vector<16xf32>
    %add3A_1380 = arith.addf %add3A_1364, %abs3A_1379 : vector<16xf32>
    %get3A_1381 = arith.constant 3 : i32
    %get3A_1382 = arith.index_cast %get3A_1381 : i32 to index
    %get3A_1383 = arith.constant 64 : index
    %get3A_1384 = tpu.vector_load %arg14[%get3A_1382, %get3A_1383] {strides = array<i32>} : memref<4x128xf32, #tpu.memory_space<vmem>>, vector<1x16xf32>,
    %get3A_1385 = vector.shape_cast %get3A_1384 : vector<1x16xf32> to vector<16xf32>
    %get3A_1386 = arith.constant 448 : index
    %get3A_1387 = tpu.vector_load %arg12[%get3A_1386] {strides = array<i32>} : memref<512xf32, #tpu.memory_space<vmem>>, vector<16xf32>,
    %get3A_1388 = vector.shape_cast %get3A_1387 : vector<16xf32> to vector<16xf32>
    %get3A_1389 = arith.constant 448 : index
    %get3A_1390 = tpu.vector_load %arg11[%get3A_1389] {strides = array<i32>} : memref<512xf32, #tpu.memory_space<vmem>>, vector<16xf32>,
    %get3A_1391 = vector.shape_cast %get3A_1390 : vector<16xf32> to vector<16xf32>
    %mul3A_1392 = arith.mulf %get3A_1385, %get3A_1388 : vector<16xf32>
    %mul3A_1393 = arith.mulf %get3A_1391, %get3A_1388 : vector<16xf32>
    %sub3A_1394 = arith.subf %mul3A_1392, %mul3A_1393 : vector<16xf32>
    %abs3A_1395 = math.absf %sub3A_1394 : vector<16xf32>
    %add3A_1396 = arith.addf %add3A_1380, %abs3A_1395 : vector<16xf32>
    %get3A_1397 = arith.constant 3 : i32
    %get3A_1398 = arith.index_cast %get3A_1397 : i32 to index
    %get3A_1399 = arith.constant 80 : index
    %get3A_1400 = tpu.vector_load %arg14[%get3A_1398, %get3A_1399] {strides = array<i32>} : memref<4x128xf32, #tpu.memory_space<vmem>>, vector<1x16xf32>,
    %get3A_1401 = vector.shape_cast %get3A_1400 : vector<1x16xf32> to vector<16xf32>
    %get3A_1402 = arith.constant 464 : index
    %get3A_1403 = tpu.vector_load %arg12[%get3A_1402] {strides = array<i32>} : memref<512xf32, #tpu.memory_space<vmem>>, vector<16xf32>,
    %get3A_1404 = vector.shape_cast %get3A_1403 : vector<16xf32> to vector<16xf32>
    %get3A_1405 = arith.constant 464 : index
    %get3A_1406 = tpu.vector_load %arg11[%get3A_1405] {strides = array<i32>} : memref<512xf32, #tpu.memory_space<vmem>>, vector<16xf32>,
    %get3A_1407 = vector.shape_cast %get3A_1406 : vector<16xf32> to vector<16xf32>
    %mul3A_1408 = arith.mulf %get3A_1401, %get3A_1404 : vector<16xf32>
    %mul3A_1409 = arith.mulf %get3A_1407, %get3A_1404 : vector<16xf32>
    %sub3A_1410 = arith.subf %mul3A_1408, %mul3A_1409 : vector<16xf32>
    %abs3A_1411 = math.absf %sub3A_1410 : vector<16xf32>
    %add3A_1412 = arith.addf %add3A_1396, %abs3A_1411 : vector<16xf32>
    %get3A_1413 = arith.constant 3 : i32
    %get3A_1414 = arith.index_cast %get3A_1413 : i32 to index
    %get3A_1415 = arith.constant 96 : index
    %get3A_1416 = tpu.vector_load %arg14[%get3A_1414, %get3A_1415] {strides = array<i32>} : memref<4x128xf32, #tpu.memory_space<vmem>>, vector<1x16xf32>,
    %get3A_1417 = vector.shape_cast %get3A_1416 : vector<1x16xf32> to vector<16xf32>
    %get3A_1418 = arith.constant 480 : index
    %get3A_1419 = tpu.vector_load %arg12[%get3A_1418] {strides = array<i32>} : memref<512xf32, #tpu.memory_space<vmem>>, vector<16xf32>,
    %get3A_1420 = vector.shape_cast %get3A_1419 : vector<16xf32> to vector<16xf32>
    %get3A_1421 = arith.constant 480 : index
    %get3A_1422 = tpu.vector_load %arg11[%get3A_1421] {strides = array<i32>} : memref<512xf32, #tpu.memory_space<vmem>>, vector<16xf32>,
    %get3A_1423 = vector.shape_cast %get3A_1422 : vector<16xf32> to vector<16xf32>
    %mul3A_1424 = arith.mulf %get3A_1417, %get3A_1420 : vector<16xf32>
    %mul3A_1425 = arith.mulf %get3A_1423, %get3A_1420 : vector<16xf32>
    %sub3A_1426 = arith.subf %mul3A_1424, %mul3A_1425 : vector<16xf32>
    %abs3A_1427 = math.absf %sub3A_1426 : vector<16xf32>
    %add3A_1428 = arith.addf %add3A_1412, %abs3A_1427 : vector<16xf32>
    %get3A_1429 = arith.constant 3 : i32
    %get3A_1430 = arith.index_cast %get3A_1429 : i32 to index
    %get3A_1431 = arith.constant 112 : index
    %get3A_1432 = tpu.vector_load %arg14[%get3A_1430, %get3A_1431] {strides = array<i32>} : memref<4x128xf32, #tpu.memory_space<vmem>>, vector<1x16xf32>,
    %get3A_1433 = vector.shape_cast %get3A_1432 : vector<1x16xf32> to vector<16xf32>
    %get3A_1434 = arith.constant 496 : index
    %get3A_1435 = tpu.vector_load %arg12[%get3A_1434] {strides = array<i32>} : memref<512xf32, #tpu.memory_space<vmem>>, vector<16xf32>,
    %get3A_1436 = vector.shape_cast %get3A_1435 : vector<16xf32> to vector<16xf32>
    %get3A_1437 = arith.constant 496 : index
    %get3A_1438 = tpu.vector_load %arg11[%get3A_1437] {strides = array<i32>} : memref<512xf32, #tpu.memory_space<vmem>>, vector<16xf32>,
    %get3A_1439 = vector.shape_cast %get3A_1438 : vector<16xf32> to vector<16xf32>
    %mul3A_1440 = arith.mulf %get3A_1433, %get3A_1436 : vector<16xf32>
    %mul3A_1441 = arith.mulf %get3A_1439, %get3A_1436 : vector<16xf32>
    %sub3A_1442 = arith.subf %mul3A_1440, %mul3A_1441 : vector<16xf32>
    %abs3A_1443 = math.absf %sub3A_1442 : vector<16xf32>
    %add3A_1444 = arith.addf %add3A_1428, %abs3A_1443 : vector<16xf32>
    %swap3A_1445 = arith.constant 0 : i32
    %swap3A_1446 = arith.index_cast %swap3A_1445 : i32 to index
    %swap3A_1447 = arith.constant 0 : index
    %swap3A_1448 = tpu.vector_load %arg15[%swap3A_1446, %swap3A_1447] {strides = array<i32>} : memref<2x16xf32, #tpu.memory_space<vmem>>, vector<1x16xf32>,
    %swap3A_1449 = vector.shape_cast %swap3A_1448 : vector<1x16xf32> to vector<16xf32>
    %swap3A_1450 = vector.shape_cast %add3A_1444 : vector<16xf32> to vector<1x16xf32>
    tpu.vector_store %arg15[%swap3A_1446, %swap3A_1447], %swap3A_1450 {strides = array<i32>} : memref<2x16xf32, #tpu.memory_space<vmem>>, vector<1x16xf32>,
    "tpu.region"() ({
      %run_scoped3A = tpu.sem_alloc : memref<!tpu.dma_semaphore, #tpu.memory_space<semaphore_mem>>
      %dma_start3A_1453 = arith.constant 0 : i32
      %dma_start3A_1454 = arith.constant 0 : i32
      %dma_start3A_1455 = tpu.memref_slice %arg8[%arg1, %dma_start3A_1453, %dma_start3A_1454] : memref<16x2x16xf32, #tpu.memory_space<hbm>> -> memref<1x2x16xf32, #tpu.memory_space<hbm>>
      %dma_start3A_1456 = tpu.memref_squeeze %dma_start3A_1455 : memref<1x2x16xf32, #tpu.memory_space<hbm>> -> memref<2x16xf32, #tpu.memory_space<hbm>>
      %dma_start3A_1457 = arith.constant 0 : i32
      %dma_start3A_1458 = arith.constant 0 : i32
      %dma_start3A_1459 = tpu.memref_slice %arg8[%arg1, %dma_start3A_1457, %dma_start3A_1458] : memref<16x2x16xf32, #tpu.memory_space<hbm>> -> memref<1x2x16xf32, #tpu.memory_space<hbm>>
      %dma_start3A_1460 = tpu.memref_squeeze %dma_start3A_1459 : memref<1x2x16xf32, #tpu.memory_space<hbm>> -> memref<2x16xf32, #tpu.memory_space<hbm>>
      tpu.enqueue_dma source(%arg15 : memref<2x16xf32, #tpu.memory_space<vmem>>) target(%dma_start3A_1460 : memref<2x16xf32, #tpu.memory_space<hbm>>) target_semaphore(%run_scoped3A : memref<!tpu.dma_semaphore, #tpu.memory_space<semaphore_mem>>)
      %dma_wait3A_1461 = arith.constant 0 : i32
      %dma_wait3A_1462 = arith.constant 0 : i32
      %dma_wait3A_1463 = tpu.memref_slice %arg8[%arg1, %dma_wait3A_1461, %dma_wait3A_1462] : memref<16x2x16xf32, #tpu.memory_space<hbm>> -> memref<1x2x16xf32, #tpu.memory_space<hbm>>
      %dma_wait3A_1464 = tpu.memref_squeeze %dma_wait3A_1463 : memref<1x2x16xf32, #tpu.memory_space<hbm>> -> memref<2x16xf32, #tpu.memory_space<hbm>>
      %dma_wait3A_1465 = arith.constant 0 : i32
      %dma_wait3A_1466 = arith.constant 0 : i32
      %dma_wait3A_1467 = tpu.memref_slice %arg8[%arg1, %dma_wait3A_1465, %dma_wait3A_1466] : memref<16x2x16xf32, #tpu.memory_space<hbm>> -> memref<1x2x16xf32, #tpu.memory_space<hbm>>
      %dma_wait3A_1468 = tpu.memref_squeeze %dma_wait3A_1467 : memref<1x2x16xf32, #tpu.memory_space<hbm>> -> memref<2x16xf32, #tpu.memory_space<hbm>>
      tpu.wait_dma2 semaphore(%run_scoped3A : memref<!tpu.dma_semaphore, #tpu.memory_space<semaphore_mem>>) src(%arg15 : memref<2x16xf32, #tpu.memory_space<vmem>>) dst(%dma_wait3A_1468 : memref<2x16xf32, #tpu.memory_space<hbm>>)
      tpu.yield
    }) : () -> ()
    %barrier3A = arith.constant 0 : index
    tpu.barrier barrier_id(%barrier3A)
    %eq3A = arith.constant 0 : i32
    %eq3A_1451 = arith.cmpi eq, %arg1, %eq3A : i32
    %convert_element_type3A = arith.extui %eq3A_1451 : i1 to i32
    %cond3A = arith.constant 0 : i32
    %cond3A_1452 = arith.cmpi ne, %convert_element_type3A, %cond3A : i32
    scf.if %cond3A_1452 {
      "tpu.region"() ({
        %run_scoped3A = tpu.sem_alloc : memref<!tpu.dma_semaphore, #tpu.memory_space<semaphore_mem>>
        tpu.enqueue_dma source(%arg8 : memref<16x2x16xf32, #tpu.memory_space<hbm>>) target(%arg16 : memref<16x2x16xf32, #tpu.memory_space<vmem>>) target_semaphore(%run_scoped3A : memref<!tpu.dma_semaphore, #tpu.memory_space<semaphore_mem>>)
        tpu.wait_dma2 semaphore(%run_scoped3A : memref<!tpu.dma_semaphore, #tpu.memory_space<semaphore_mem>>) src(%arg8 : memref<16x2x16xf32, #tpu.memory_space<hbm>>) dst(%arg16 : memref<16x2x16xf32, #tpu.memory_space<vmem>>)
        tpu.yield
      }) : () -> ()
      %broadcast_in_dim3A_1453 = arith.constant 0.000000e+00 : f32
      %broadcast_in_dim3A_1454 = vector.broadcast %broadcast_in_dim3A_1453 : f32 to vector<16xf32>
      %broadcast_in_dim3A_1455 = arith.constant 0.000000e+00 : f32
      %broadcast_in_dim3A_1456 = vector.broadcast %broadcast_in_dim3A_1455 : f32 to vector<16xf32>
      %get3A_1457 = arith.constant 0 : i32
      %get3A_1458 = arith.constant 0 : i32
      %get3A_1459 = arith.index_cast %get3A_1457 : i32 to index
      %get3A_1460 = arith.index_cast %get3A_1458 : i32 to index
      %get3A_1461 = arith.constant 0 : index
      %get3A_1462 = tpu.vector_load %arg16[%get3A_1459, %get3A_1460, %get3A_1461] {strides = array<i32>} : memref<16x2x16xf32, #tpu.memory_space<vmem>>, vector<1x1x16xf32>,
      %get3A_1463 = vector.shape_cast %get3A_1462 : vector<1x1x16xf32> to vector<16xf32>
      %add3A_1464 = arith.addf %broadcast_in_dim3A_1454, %get3A_1463 : vector<16xf32>
      %get3A_1465 = arith.constant 0 : i32
      %get3A_1466 = arith.constant 1 : i32
      %get3A_1467 = arith.index_cast %get3A_1465 : i32 to index
      %get3A_1468 = arith.index_cast %get3A_1466 : i32 to index
      %get3A_1469 = arith.constant 0 : index
      %get3A_1470 = tpu.vector_load %arg16[%get3A_1467, %get3A_1468, %get3A_1469] {strides = array<i32>} : memref<16x2x16xf32, #tpu.memory_space<vmem>>, vector<1x1x16xf32>,
      %get3A_1471 = vector.shape_cast %get3A_1470 : vector<1x1x16xf32> to vector<16xf32>
      %add3A_1472 = arith.addf %broadcast_in_dim3A_1456, %get3A_1471 : vector<16xf32>
      %get3A_1473 = arith.constant 1 : i32
      %get3A_1474 = arith.constant 0 : i32
      %get3A_1475 = arith.index_cast %get3A_1473 : i32 to index
      %get3A_1476 = arith.index_cast %get3A_1474 : i32 to index
      %get3A_1477 = arith.constant 0 : index
      %get3A_1478 = tpu.vector_load %arg16[%get3A_1475, %get3A_1476, %get3A_1477] {strides = array<i32>} : memref<16x2x16xf32, #tpu.memory_space<vmem>>, vector<1x1x16xf32>,
      %get3A_1479 = vector.shape_cast %get3A_1478 : vector<1x1x16xf32> to vector<16xf32>
      %add3A_1480 = arith.addf %add3A_1464, %get3A_1479 : vector<16xf32>
      %get3A_1481 = arith.constant 1 : i32
      %get3A_1482 = arith.constant 1 : i32
      %get3A_1483 = arith.index_cast %get3A_1481 : i32 to index
      %get3A_1484 = arith.index_cast %get3A_1482 : i32 to index
      %get3A_1485 = arith.constant 0 : index
      %get3A_1486 = tpu.vector_load %arg16[%get3A_1483, %get3A_1484, %get3A_1485] {strides = array<i32>} : memref<16x2x16xf32, #tpu.memory_space<vmem>>, vector<1x1x16xf32>,
      %get3A_1487 = vector.shape_cast %get3A_1486 : vector<1x1x16xf32> to vector<16xf32>
      %add3A_1488 = arith.addf %add3A_1472, %get3A_1487 : vector<16xf32>
      %get3A_1489 = arith.constant 2 : i32
      %get3A_1490 = arith.constant 0 : i32
      %get3A_1491 = arith.index_cast %get3A_1489 : i32 to index
      %get3A_1492 = arith.index_cast %get3A_1490 : i32 to index
      %get3A_1493 = arith.constant 0 : index
      %get3A_1494 = tpu.vector_load %arg16[%get3A_1491, %get3A_1492, %get3A_1493] {strides = array<i32>} : memref<16x2x16xf32, #tpu.memory_space<vmem>>, vector<1x1x16xf32>,
      %get3A_1495 = vector.shape_cast %get3A_1494 : vector<1x1x16xf32> to vector<16xf32>
      %add3A_1496 = arith.addf %add3A_1480, %get3A_1495 : vector<16xf32>
      %get3A_1497 = arith.constant 2 : i32
      %get3A_1498 = arith.constant 1 : i32
      %get3A_1499 = arith.index_cast %get3A_1497 : i32 to index
      %get3A_1500 = arith.index_cast %get3A_1498 : i32 to index
      %get3A_1501 = arith.constant 0 : index
      %get3A_1502 = tpu.vector_load %arg16[%get3A_1499, %get3A_1500, %get3A_1501] {strides = array<i32>} : memref<16x2x16xf32, #tpu.memory_space<vmem>>, vector<1x1x16xf32>,
      %get3A_1503 = vector.shape_cast %get3A_1502 : vector<1x1x16xf32> to vector<16xf32>
      %add3A_1504 = arith.addf %add3A_1488, %get3A_1503 : vector<16xf32>
      %get3A_1505 = arith.constant 3 : i32
      %get3A_1506 = arith.constant 0 : i32
      %get3A_1507 = arith.index_cast %get3A_1505 : i32 to index
      %get3A_1508 = arith.index_cast %get3A_1506 : i32 to index
      %get3A_1509 = arith.constant 0 : index
      %get3A_1510 = tpu.vector_load %arg16[%get3A_1507, %get3A_1508, %get3A_1509] {strides = array<i32>} : memref<16x2x16xf32, #tpu.memory_space<vmem>>, vector<1x1x16xf32>,
      %get3A_1511 = vector.shape_cast %get3A_1510 : vector<1x1x16xf32> to vector<16xf32>
      %add3A_1512 = arith.addf %add3A_1496, %get3A_1511 : vector<16xf32>
      %get3A_1513 = arith.constant 3 : i32
      %get3A_1514 = arith.constant 1 : i32
      %get3A_1515 = arith.index_cast %get3A_1513 : i32 to index
      %get3A_1516 = arith.index_cast %get3A_1514 : i32 to index
      %get3A_1517 = arith.constant 0 : index
      %get3A_1518 = tpu.vector_load %arg16[%get3A_1515, %get3A_1516, %get3A_1517] {strides = array<i32>} : memref<16x2x16xf32, #tpu.memory_space<vmem>>, vector<1x1x16xf32>,
      %get3A_1519 = vector.shape_cast %get3A_1518 : vector<1x1x16xf32> to vector<16xf32>
      %add3A_1520 = arith.addf %add3A_1504, %get3A_1519 : vector<16xf32>
      %get3A_1521 = arith.constant 4 : i32
      %get3A_1522 = arith.constant 0 : i32
      %get3A_1523 = arith.index_cast %get3A_1521 : i32 to index
      %get3A_1524 = arith.index_cast %get3A_1522 : i32 to index
      %get3A_1525 = arith.constant 0 : index
      %get3A_1526 = tpu.vector_load %arg16[%get3A_1523, %get3A_1524, %get3A_1525] {strides = array<i32>} : memref<16x2x16xf32, #tpu.memory_space<vmem>>, vector<1x1x16xf32>,
      %get3A_1527 = vector.shape_cast %get3A_1526 : vector<1x1x16xf32> to vector<16xf32>
      %add3A_1528 = arith.addf %add3A_1512, %get3A_1527 : vector<16xf32>
      %get3A_1529 = arith.constant 4 : i32
      %get3A_1530 = arith.constant 1 : i32
      %get3A_1531 = arith.index_cast %get3A_1529 : i32 to index
      %get3A_1532 = arith.index_cast %get3A_1530 : i32 to index
      %get3A_1533 = arith.constant 0 : index
      %get3A_1534 = tpu.vector_load %arg16[%get3A_1531, %get3A_1532, %get3A_1533] {strides = array<i32>} : memref<16x2x16xf32, #tpu.memory_space<vmem>>, vector<1x1x16xf32>,
      %get3A_1535 = vector.shape_cast %get3A_1534 : vector<1x1x16xf32> to vector<16xf32>
      %add3A_1536 = arith.addf %add3A_1520, %get3A_1535 : vector<16xf32>
      %get3A_1537 = arith.constant 5 : i32
      %get3A_1538 = arith.constant 0 : i32
      %get3A_1539 = arith.index_cast %get3A_1537 : i32 to index
      %get3A_1540 = arith.index_cast %get3A_1538 : i32 to index
      %get3A_1541 = arith.constant 0 : index
      %get3A_1542 = tpu.vector_load %arg16[%get3A_1539, %get3A_1540, %get3A_1541] {strides = array<i32>} : memref<16x2x16xf32, #tpu.memory_space<vmem>>, vector<1x1x16xf32>,
      %get3A_1543 = vector.shape_cast %get3A_1542 : vector<1x1x16xf32> to vector<16xf32>
      %add3A_1544 = arith.addf %add3A_1528, %get3A_1543 : vector<16xf32>
      %get3A_1545 = arith.constant 5 : i32
      %get3A_1546 = arith.constant 1 : i32
      %get3A_1547 = arith.index_cast %get3A_1545 : i32 to index
      %get3A_1548 = arith.index_cast %get3A_1546 : i32 to index
      %get3A_1549 = arith.constant 0 : index
      %get3A_1550 = tpu.vector_load %arg16[%get3A_1547, %get3A_1548, %get3A_1549] {strides = array<i32>} : memref<16x2x16xf32, #tpu.memory_space<vmem>>, vector<1x1x16xf32>,
      %get3A_1551 = vector.shape_cast %get3A_1550 : vector<1x1x16xf32> to vector<16xf32>
      %add3A_1552 = arith.addf %add3A_1536, %get3A_1551 : vector<16xf32>
      %get3A_1553 = arith.constant 6 : i32
      %get3A_1554 = arith.constant 0 : i32
      %get3A_1555 = arith.index_cast %get3A_1553 : i32 to index
      %get3A_1556 = arith.index_cast %get3A_1554 : i32 to index
      %get3A_1557 = arith.constant 0 : index
      %get3A_1558 = tpu.vector_load %arg16[%get3A_1555, %get3A_1556, %get3A_1557] {strides = array<i32>} : memref<16x2x16xf32, #tpu.memory_space<vmem>>, vector<1x1x16xf32>,
      %get3A_1559 = vector.shape_cast %get3A_1558 : vector<1x1x16xf32> to vector<16xf32>
      %add3A_1560 = arith.addf %add3A_1544, %get3A_1559 : vector<16xf32>
      %get3A_1561 = arith.constant 6 : i32
      %get3A_1562 = arith.constant 1 : i32
      %get3A_1563 = arith.index_cast %get3A_1561 : i32 to index
      %get3A_1564 = arith.index_cast %get3A_1562 : i32 to index
      %get3A_1565 = arith.constant 0 : index
      %get3A_1566 = tpu.vector_load %arg16[%get3A_1563, %get3A_1564, %get3A_1565] {strides = array<i32>} : memref<16x2x16xf32, #tpu.memory_space<vmem>>, vector<1x1x16xf32>,
      %get3A_1567 = vector.shape_cast %get3A_1566 : vector<1x1x16xf32> to vector<16xf32>
      %add3A_1568 = arith.addf %add3A_1552, %get3A_1567 : vector<16xf32>
      %get3A_1569 = arith.constant 7 : i32
      %get3A_1570 = arith.constant 0 : i32
      %get3A_1571 = arith.index_cast %get3A_1569 : i32 to index
      %get3A_1572 = arith.index_cast %get3A_1570 : i32 to index
      %get3A_1573 = arith.constant 0 : index
      %get3A_1574 = tpu.vector_load %arg16[%get3A_1571, %get3A_1572, %get3A_1573] {strides = array<i32>} : memref<16x2x16xf32, #tpu.memory_space<vmem>>, vector<1x1x16xf32>,
      %get3A_1575 = vector.shape_cast %get3A_1574 : vector<1x1x16xf32> to vector<16xf32>
      %add3A_1576 = arith.addf %add3A_1560, %get3A_1575 : vector<16xf32>
      %get3A_1577 = arith.constant 7 : i32
      %get3A_1578 = arith.constant 1 : i32
      %get3A_1579 = arith.index_cast %get3A_1577 : i32 to index
      %get3A_1580 = arith.index_cast %get3A_1578 : i32 to index
      %get3A_1581 = arith.constant 0 : index
      %get3A_1582 = tpu.vector_load %arg16[%get3A_1579, %get3A_1580, %get3A_1581] {strides = array<i32>} : memref<16x2x16xf32, #tpu.memory_space<vmem>>, vector<1x1x16xf32>,
      %get3A_1583 = vector.shape_cast %get3A_1582 : vector<1x1x16xf32> to vector<16xf32>
      %add3A_1584 = arith.addf %add3A_1568, %get3A_1583 : vector<16xf32>
      %get3A_1585 = arith.constant 8 : i32
      %get3A_1586 = arith.constant 0 : i32
      %get3A_1587 = arith.index_cast %get3A_1585 : i32 to index
      %get3A_1588 = arith.index_cast %get3A_1586 : i32 to index
      %get3A_1589 = arith.constant 0 : index
      %get3A_1590 = tpu.vector_load %arg16[%get3A_1587, %get3A_1588, %get3A_1589] {strides = array<i32>} : memref<16x2x16xf32, #tpu.memory_space<vmem>>, vector<1x1x16xf32>,
      %get3A_1591 = vector.shape_cast %get3A_1590 : vector<1x1x16xf32> to vector<16xf32>
      %add3A_1592 = arith.addf %add3A_1576, %get3A_1591 : vector<16xf32>
      %get3A_1593 = arith.constant 8 : i32
      %get3A_1594 = arith.constant 1 : i32
      %get3A_1595 = arith.index_cast %get3A_1593 : i32 to index
      %get3A_1596 = arith.index_cast %get3A_1594 : i32 to index
      %get3A_1597 = arith.constant 0 : index
      %get3A_1598 = tpu.vector_load %arg16[%get3A_1595, %get3A_1596, %get3A_1597] {strides = array<i32>} : memref<16x2x16xf32, #tpu.memory_space<vmem>>, vector<1x1x16xf32>,
      %get3A_1599 = vector.shape_cast %get3A_1598 : vector<1x1x16xf32> to vector<16xf32>
      %add3A_1600 = arith.addf %add3A_1584, %get3A_1599 : vector<16xf32>
      %get3A_1601 = arith.constant 9 : i32
      %get3A_1602 = arith.constant 0 : i32
      %get3A_1603 = arith.index_cast %get3A_1601 : i32 to index
      %get3A_1604 = arith.index_cast %get3A_1602 : i32 to index
      %get3A_1605 = arith.constant 0 : index
      %get3A_1606 = tpu.vector_load %arg16[%get3A_1603, %get3A_1604, %get3A_1605] {strides = array<i32>} : memref<16x2x16xf32, #tpu.memory_space<vmem>>, vector<1x1x16xf32>,
      %get3A_1607 = vector.shape_cast %get3A_1606 : vector<1x1x16xf32> to vector<16xf32>
      %add3A_1608 = arith.addf %add3A_1592, %get3A_1607 : vector<16xf32>
      %get3A_1609 = arith.constant 9 : i32
      %get3A_1610 = arith.constant 1 : i32
      %get3A_1611 = arith.index_cast %get3A_1609 : i32 to index
      %get3A_1612 = arith.index_cast %get3A_1610 : i32 to index
      %get3A_1613 = arith.constant 0 : index
      %get3A_1614 = tpu.vector_load %arg16[%get3A_1611, %get3A_1612, %get3A_1613] {strides = array<i32>} : memref<16x2x16xf32, #tpu.memory_space<vmem>>, vector<1x1x16xf32>,
      %get3A_1615 = vector.shape_cast %get3A_1614 : vector<1x1x16xf32> to vector<16xf32>
      %add3A_1616 = arith.addf %add3A_1600, %get3A_1615 : vector<16xf32>
      %get3A_1617 = arith.constant 10 : i32
      %get3A_1618 = arith.constant 0 : i32
      %get3A_1619 = arith.index_cast %get3A_1617 : i32 to index
      %get3A_1620 = arith.index_cast %get3A_1618 : i32 to index
      %get3A_1621 = arith.constant 0 : index
      %get3A_1622 = tpu.vector_load %arg16[%get3A_1619, %get3A_1620, %get3A_1621] {strides = array<i32>} : memref<16x2x16xf32, #tpu.memory_space<vmem>>, vector<1x1x16xf32>,
      %get3A_1623 = vector.shape_cast %get3A_1622 : vector<1x1x16xf32> to vector<16xf32>
      %add3A_1624 = arith.addf %add3A_1608, %get3A_1623 : vector<16xf32>
      %get3A_1625 = arith.constant 10 : i32
      %get3A_1626 = arith.constant 1 : i32
      %get3A_1627 = arith.index_cast %get3A_1625 : i32 to index
      %get3A_1628 = arith.index_cast %get3A_1626 : i32 to index
      %get3A_1629 = arith.constant 0 : index
      %get3A_1630 = tpu.vector_load %arg16[%get3A_1627, %get3A_1628, %get3A_1629] {strides = array<i32>} : memref<16x2x16xf32, #tpu.memory_space<vmem>>, vector<1x1x16xf32>,
      %get3A_1631 = vector.shape_cast %get3A_1630 : vector<1x1x16xf32> to vector<16xf32>
      %add3A_1632 = arith.addf %add3A_1616, %get3A_1631 : vector<16xf32>
      %get3A_1633 = arith.constant 11 : i32
      %get3A_1634 = arith.constant 0 : i32
      %get3A_1635 = arith.index_cast %get3A_1633 : i32 to index
      %get3A_1636 = arith.index_cast %get3A_1634 : i32 to index
      %get3A_1637 = arith.constant 0 : index
      %get3A_1638 = tpu.vector_load %arg16[%get3A_1635, %get3A_1636, %get3A_1637] {strides = array<i32>} : memref<16x2x16xf32, #tpu.memory_space<vmem>>, vector<1x1x16xf32>,
      %get3A_1639 = vector.shape_cast %get3A_1638 : vector<1x1x16xf32> to vector<16xf32>
      %add3A_1640 = arith.addf %add3A_1624, %get3A_1639 : vector<16xf32>
      %get3A_1641 = arith.constant 11 : i32
      %get3A_1642 = arith.constant 1 : i32
      %get3A_1643 = arith.index_cast %get3A_1641 : i32 to index
      %get3A_1644 = arith.index_cast %get3A_1642 : i32 to index
      %get3A_1645 = arith.constant 0 : index
      %get3A_1646 = tpu.vector_load %arg16[%get3A_1643, %get3A_1644, %get3A_1645] {strides = array<i32>} : memref<16x2x16xf32, #tpu.memory_space<vmem>>, vector<1x1x16xf32>,
      %get3A_1647 = vector.shape_cast %get3A_1646 : vector<1x1x16xf32> to vector<16xf32>
      %add3A_1648 = arith.addf %add3A_1632, %get3A_1647 : vector<16xf32>
      %get3A_1649 = arith.constant 12 : i32
      %get3A_1650 = arith.constant 0 : i32
      %get3A_1651 = arith.index_cast %get3A_1649 : i32 to index
      %get3A_1652 = arith.index_cast %get3A_1650 : i32 to index
      %get3A_1653 = arith.constant 0 : index
      %get3A_1654 = tpu.vector_load %arg16[%get3A_1651, %get3A_1652, %get3A_1653] {strides = array<i32>} : memref<16x2x16xf32, #tpu.memory_space<vmem>>, vector<1x1x16xf32>,
      %get3A_1655 = vector.shape_cast %get3A_1654 : vector<1x1x16xf32> to vector<16xf32>
      %add3A_1656 = arith.addf %add3A_1640, %get3A_1655 : vector<16xf32>
      %get3A_1657 = arith.constant 12 : i32
      %get3A_1658 = arith.constant 1 : i32
      %get3A_1659 = arith.index_cast %get3A_1657 : i32 to index
      %get3A_1660 = arith.index_cast %get3A_1658 : i32 to index
      %get3A_1661 = arith.constant 0 : index
      %get3A_1662 = tpu.vector_load %arg16[%get3A_1659, %get3A_1660, %get3A_1661] {strides = array<i32>} : memref<16x2x16xf32, #tpu.memory_space<vmem>>, vector<1x1x16xf32>,
      %get3A_1663 = vector.shape_cast %get3A_1662 : vector<1x1x16xf32> to vector<16xf32>
      %add3A_1664 = arith.addf %add3A_1648, %get3A_1663 : vector<16xf32>
      %get3A_1665 = arith.constant 13 : i32
      %get3A_1666 = arith.constant 0 : i32
      %get3A_1667 = arith.index_cast %get3A_1665 : i32 to index
      %get3A_1668 = arith.index_cast %get3A_1666 : i32 to index
      %get3A_1669 = arith.constant 0 : index
      %get3A_1670 = tpu.vector_load %arg16[%get3A_1667, %get3A_1668, %get3A_1669] {strides = array<i32>} : memref<16x2x16xf32, #tpu.memory_space<vmem>>, vector<1x1x16xf32>,
      %get3A_1671 = vector.shape_cast %get3A_1670 : vector<1x1x16xf32> to vector<16xf32>
      %add3A_1672 = arith.addf %add3A_1656, %get3A_1671 : vector<16xf32>
      %get3A_1673 = arith.constant 13 : i32
      %get3A_1674 = arith.constant 1 : i32
      %get3A_1675 = arith.index_cast %get3A_1673 : i32 to index
      %get3A_1676 = arith.index_cast %get3A_1674 : i32 to index
      %get3A_1677 = arith.constant 0 : index
      %get3A_1678 = tpu.vector_load %arg16[%get3A_1675, %get3A_1676, %get3A_1677] {strides = array<i32>} : memref<16x2x16xf32, #tpu.memory_space<vmem>>, vector<1x1x16xf32>,
      %get3A_1679 = vector.shape_cast %get3A_1678 : vector<1x1x16xf32> to vector<16xf32>
      %add3A_1680 = arith.addf %add3A_1664, %get3A_1679 : vector<16xf32>
      %get3A_1681 = arith.constant 14 : i32
      %get3A_1682 = arith.constant 0 : i32
      %get3A_1683 = arith.index_cast %get3A_1681 : i32 to index
      %get3A_1684 = arith.index_cast %get3A_1682 : i32 to index
      %get3A_1685 = arith.constant 0 : index
      %get3A_1686 = tpu.vector_load %arg16[%get3A_1683, %get3A_1684, %get3A_1685] {strides = array<i32>} : memref<16x2x16xf32, #tpu.memory_space<vmem>>, vector<1x1x16xf32>,
      %get3A_1687 = vector.shape_cast %get3A_1686 : vector<1x1x16xf32> to vector<16xf32>
      %add3A_1688 = arith.addf %add3A_1672, %get3A_1687 : vector<16xf32>
      %get3A_1689 = arith.constant 14 : i32
      %get3A_1690 = arith.constant 1 : i32
      %get3A_1691 = arith.index_cast %get3A_1689 : i32 to index
      %get3A_1692 = arith.index_cast %get3A_1690 : i32 to index
      %get3A_1693 = arith.constant 0 : index
      %get3A_1694 = tpu.vector_load %arg16[%get3A_1691, %get3A_1692, %get3A_1693] {strides = array<i32>} : memref<16x2x16xf32, #tpu.memory_space<vmem>>, vector<1x1x16xf32>,
      %get3A_1695 = vector.shape_cast %get3A_1694 : vector<1x1x16xf32> to vector<16xf32>
      %add3A_1696 = arith.addf %add3A_1680, %get3A_1695 : vector<16xf32>
      %get3A_1697 = arith.constant 15 : i32
      %get3A_1698 = arith.constant 0 : i32
      %get3A_1699 = arith.index_cast %get3A_1697 : i32 to index
      %get3A_1700 = arith.index_cast %get3A_1698 : i32 to index
      %get3A_1701 = arith.constant 0 : index
      %get3A_1702 = tpu.vector_load %arg16[%get3A_1699, %get3A_1700, %get3A_1701] {strides = array<i32>} : memref<16x2x16xf32, #tpu.memory_space<vmem>>, vector<1x1x16xf32>,
      %get3A_1703 = vector.shape_cast %get3A_1702 : vector<1x1x16xf32> to vector<16xf32>
      %add3A_1704 = arith.addf %add3A_1688, %get3A_1703 : vector<16xf32>
      %get3A_1705 = arith.constant 15 : i32
      %get3A_1706 = arith.constant 1 : i32
      %get3A_1707 = arith.index_cast %get3A_1705 : i32 to index
      %get3A_1708 = arith.index_cast %get3A_1706 : i32 to index
      %get3A_1709 = arith.constant 0 : index
      %get3A_1710 = tpu.vector_load %arg16[%get3A_1707, %get3A_1708, %get3A_1709] {strides = array<i32>} : memref<16x2x16xf32, #tpu.memory_space<vmem>>, vector<1x1x16xf32>,
      %get3A_1711 = vector.shape_cast %get3A_1710 : vector<1x1x16xf32> to vector<16xf32>
      %add3A_1712 = arith.addf %add3A_1696, %get3A_1711 : vector<16xf32>
      %iota3A = tpu.iota {dimensions = array<i32: 0>} : vector<16xi32>
      %xor3A = arith.constant 1 : i32
      %xor3A_1713 = vector.broadcast %xor3A : i32 to vector<16xi32>
      %xor3A_1714 = arith.xori %iota3A, %xor3A_1713 : vector<16xi32>
      %broadcast_in_dim3A_1715 = vector.shape_cast %xor3A_1714 : vector<16xi32> to vector<16x1xi32>
      %gather3A = vector.shape_cast %broadcast_in_dim3A_1715 : vector<16x1xi32> to vector<16xi32>
      %gather3A_1716 = tpu.dynamic_gather %add3A_1704[%gather3A] in [0] : vector<16xf32>, vector<16xi32> -> vector<16xf32>
      %add3A_1717 = arith.addf %add3A_1704, %gather3A_1716 : vector<16xf32>
      %broadcast_in_dim3A_1718 = vector.shape_cast %xor3A_1714 : vector<16xi32> to vector<16x1xi32>
      %gather3A_1719 = vector.shape_cast %broadcast_in_dim3A_1718 : vector<16x1xi32> to vector<16xi32>
      %gather3A_1720 = tpu.dynamic_gather %add3A_1712[%gather3A_1719] in [0] : vector<16xf32>, vector<16xi32> -> vector<16xf32>
      %add3A_1721 = arith.addf %add3A_1712, %gather3A_1720 : vector<16xf32>
      %xor3A_1722 = arith.constant 2 : i32
      %xor3A_1723 = vector.broadcast %xor3A_1722 : i32 to vector<16xi32>
      %xor3A_1724 = arith.xori %iota3A, %xor3A_1723 : vector<16xi32>
      %broadcast_in_dim3A_1725 = vector.shape_cast %xor3A_1724 : vector<16xi32> to vector<16x1xi32>
      %gather3A_1726 = vector.shape_cast %broadcast_in_dim3A_1725 : vector<16x1xi32> to vector<16xi32>
      %gather3A_1727 = tpu.dynamic_gather %add3A_1717[%gather3A_1726] in [0] : vector<16xf32>, vector<16xi32> -> vector<16xf32>
      %add3A_1728 = arith.addf %add3A_1717, %gather3A_1727 : vector<16xf32>
      %broadcast_in_dim3A_1729 = vector.shape_cast %xor3A_1724 : vector<16xi32> to vector<16x1xi32>
      %gather3A_1730 = vector.shape_cast %broadcast_in_dim3A_1729 : vector<16x1xi32> to vector<16xi32>
      %gather3A_1731 = tpu.dynamic_gather %add3A_1721[%gather3A_1730] in [0] : vector<16xf32>, vector<16xi32> -> vector<16xf32>
      %add3A_1732 = arith.addf %add3A_1721, %gather3A_1731 : vector<16xf32>
      %xor3A_1733 = arith.constant 4 : i32
      %xor3A_1734 = vector.broadcast %xor3A_1733 : i32 to vector<16xi32>
      %xor3A_1735 = arith.xori %iota3A, %xor3A_1734 : vector<16xi32>
      %broadcast_in_dim3A_1736 = vector.shape_cast %xor3A_1735 : vector<16xi32> to vector<16x1xi32>
      %gather3A_1737 = vector.shape_cast %broadcast_in_dim3A_1736 : vector<16x1xi32> to vector<16xi32>
      %gather3A_1738 = tpu.dynamic_gather %add3A_1728[%gather3A_1737] in [0] : vector<16xf32>, vector<16xi32> -> vector<16xf32>
      %add3A_1739 = arith.addf %add3A_1728, %gather3A_1738 : vector<16xf32>
      %broadcast_in_dim3A_1740 = vector.shape_cast %xor3A_1735 : vector<16xi32> to vector<16x1xi32>
      %gather3A_1741 = vector.shape_cast %broadcast_in_dim3A_1740 : vector<16x1xi32> to vector<16xi32>
      %gather3A_1742 = tpu.dynamic_gather %add3A_1732[%gather3A_1741] in [0] : vector<16xf32>, vector<16xi32> -> vector<16xf32>
      %add3A_1743 = arith.addf %add3A_1732, %gather3A_1742 : vector<16xf32>
      %xor3A_1744 = arith.constant 8 : i32
      %xor3A_1745 = vector.broadcast %xor3A_1744 : i32 to vector<16xi32>
      %xor3A_1746 = arith.xori %iota3A, %xor3A_1745 : vector<16xi32>
      %broadcast_in_dim3A_1747 = vector.shape_cast %xor3A_1746 : vector<16xi32> to vector<16x1xi32>
      %gather3A_1748 = vector.shape_cast %broadcast_in_dim3A_1747 : vector<16x1xi32> to vector<16xi32>
      %gather3A_1749 = tpu.dynamic_gather %add3A_1739[%gather3A_1748] in [0] : vector<16xf32>, vector<16xi32> -> vector<16xf32>
      %add3A_1750 = arith.addf %add3A_1739, %gather3A_1749 : vector<16xf32>
      %broadcast_in_dim3A_1751 = vector.shape_cast %xor3A_1746 : vector<16xi32> to vector<16x1xi32>
      %gather3A_1752 = vector.shape_cast %broadcast_in_dim3A_1751 : vector<16x1xi32> to vector<16xi32>
      %gather3A_1753 = tpu.dynamic_gather %add3A_1743[%gather3A_1752] in [0] : vector<16xf32>, vector<16xi32> -> vector<16xf32>
      %add3A_1754 = arith.addf %add3A_1743, %gather3A_1753 : vector<16xf32>
      %add3A_1755 = arith.constant 9.99999997E-7 : f32
      %add3A_1756 = vector.broadcast %add3A_1755 : f32 to vector<16xf32>
      %add3A_1757 = arith.addf %add3A_1754, %add3A_1756 : vector<16xf32>
      %div3A = arith.divf %add3A_1750, %add3A_1757 : vector<16xf32>
      %swap3A_1758 = arith.constant 0 : index
      %swap3A_1759 = tpu.vector_load %arg17[%swap3A_1758] {strides = array<i32>} : memref<16xf32, #tpu.memory_space<vmem>>, vector<16xf32>,
      %swap3A_1760 = vector.shape_cast %swap3A_1759 : vector<16xf32> to vector<16xf32>
      %swap3A_1761 = vector.shape_cast %div3A : vector<16xf32> to vector<16xf32>
      tpu.vector_store %arg17[%swap3A_1758], %swap3A_1761 {strides = array<i32>} : memref<16xf32, #tpu.memory_space<vmem>>, vector<16xf32>,
      "tpu.region"() ({
        %run_scoped3A = tpu.sem_alloc : memref<!tpu.dma_semaphore, #tpu.memory_space<semaphore_mem>>
        tpu.enqueue_dma source(%arg17 : memref<16xf32, #tpu.memory_space<vmem>>) target(%arg7 : memref<16xf32, #tpu.memory_space<hbm>>) target_semaphore(%run_scoped3A : memref<!tpu.dma_semaphore, #tpu.memory_space<semaphore_mem>>)
        tpu.wait_dma2 semaphore(%run_scoped3A : memref<!tpu.dma_semaphore, #tpu.memory_space<semaphore_mem>>) src(%arg17 : memref<16xf32, #tpu.memory_space<vmem>>) dst(%arg7 : memref<16xf32, #tpu.memory_space<hbm>>)
        tpu.yield
      }) : () -> ()
    } else {
    }
    return
  }
}

</mosaic_0001>

<sc_bundles>
// kernel: kernel.3.cloned.1.call-start
scs
__scs_entry_jumppad:
0x0: {  	(pc) =	sbr.rel $0x88, $3  }
0x1: {  	(tag) =	ssettag $0x0;
	lr =	simm.s32 $0x1  }
0x2: {  	[smem:$0x3F9C] =	sst lr;
	_ =	strace $0xD0000000  }
0x3: {  	_ = 	snop  }
0x4: {  	_ = 	snop  }
0x5: {  	_ = 	snop  }
0x6: {  	_ = 	snop  }
0x7: {  	_ = 	snop  }
__scs_overlays_trampoline_lowered:
0x8: {  	[smem:$0x3FAB] =	sst s0  }
0x9: {  	[smem:$0x3FAC] =	sst s1  }
0xa: {  	[smem:$0x3FAD] =	sst s2  }
0xb: {  	[smem:$0x3FAE] =	sst s3  }
0xc: {  	[smem:$0x3FAF] =	sst s4  }
0xd: {  	[smem:$0x3FB0] =	sst s5  }
0xe: {  	[smem:$0x3FB1] =	sst s6  }
0xf: {  	[smem:$0x3FB2] =	sst s7  }
0x10: {  	[smem:$0x3FB3] =	sst s8  }
0x11: {  	[smem:$0x3FB4] =	sst s9;
	s0 =	simm.s32 @!p0 $0x0  }
0x12: {  	s1 =	sld [smem:$0x3F9A];
	s0 =	simm.s32 @p0 $0x1  }
0x13: {  	[smem:$0x3FB5] =	sst s0;
	s0 =	simm.s32 @!p1 $0x0  }
0x14: {  	s2 =	sld [smem:$0x3F99];
	s0 =	simm.s32 @p1 $0x1  }
0x15: {  	[smem:$0x3FB6] =	sst s0;
	s0 =	simm.s32 @!p2 $0x0  }
0x16: {  	s3 =	sld [smem:$0x3FDB];
	s0 =	simm.s32 @p2 $0x1  }
0x17: {  	s4 =	simm.s32 $0x1BF5;
	[smem:$0x3FB8] =	sst s0  }
0x18: {  	s0 =	sld [smem:$0x3F9B];
	_ =	swait.ge [sflag:s4], $0x0  }
0x19: {  	s7 =	sld [smem:$0x3F9C]  }
0x1a: {  	s8 =	sadd.s32 $0xFFFFE003, lr  }
0x1b: {  	s9 =	sadd.s32 $0xFFFFFEF7, lr;
	s5 =	simm.s32 $0xFFFFFFFF;
	p2 =	slt.u32 s8, $0xFFFFF086  }
0x1c: {  	p1 =	slt.u32 s9, $0xF7A;
	s5 =	simm.s32 @!p2 $0x0  }
0x1d: {  	s5 =	simm.s32 @p1 $0x1;
	p0 =	seq.s32 s7, s2  }
0x1e: {  	s7 =	smul.u32 @!p0 $0xF7A, s2;
	p2 =	seq.s32 @!p0 s5, $0x0  }
0x1f: {  	s9 =	smul.u32 $0xF7A, s1;
	s8 =	simm.s32 @!p0 $0x1BF5;
	p2 =	por !p2, p0  }
0x20: {  	[sflag:s8] =	ssyncset.s32 @!p0 $0xFFFFF086;
	s6 =	sadd.s32 @!p0 s3, s7;
	s7 =	simm.s32 @!p0 $0x108  }
0x21: {  	s3 =	sadd.s32 s3, s9;
	s6 =	sadd.s32 @!p0 $0x88, s6;
	s7 =	simm.s32 @p2 $0x1082  }
0x22: {  	[simem:s7], [sflag:s8] =	dma.local @!p0 [hbm:s6], $0xF7A  }
0x23: {  	s9 =	sor.u32 $0xD0000000, s2;
	s6 =	simm.s32 $0x108;
	_ =	swait.ge @!p0 [sflag:s8], $0x0  }
0x24: {  	s3 =	sadd.s32 $0x88, s3;
	s6 =	simm.s32 @!p1 $0x1082;
	[sflag:s4] =	ssyncset.s32 $0xFFFFF086  }
0x25: {  	[simem:s6], [sflag:s4] =	dma.local [hbm:s3], $0xF7A  }
0x26: {  	[smem:$0x3F9C] =	sst s1;
	(tag) =	ssettag s2;
	_ =	strace s9  }
0x27: {  	s1 =	sld [smem:$0x3FAC]  }
0x28: {  	s2 =	sld [smem:$0x3FAD]  }
0x29: {  	s4 =	sld [smem:$0x3FAF]  }
0x2a: {  	p0 =	seq.s32 s5, $0x0;
	s5 =	sld [smem:$0x3FB0]  }
0x2b: {  	s6 =	sld [smem:$0x3FB1]  }
0x2c: {  	s7 =	sld [smem:$0x3FB2]  }
0x2d: {  	s3 =	simm.s32 $0x108;
	s8 =	sld [smem:$0x3FB3]  }
0x2e: {  	s3 =	simm.s32 @!p0 $0x1082;
	s9 =	sld [smem:$0x3FB4]  }
0x2f: {  	lr =	sadd.s32 s0, s3;
	s0 =	sld [smem:$0x3FAB]  }
0x30: {  	s3 =	sld [smem:$0x3FAE]  }
0x31: {  	[smem:$0x3FB7] =	sst s10  }
0x32: {  	s10 =	sld [smem:$0x3FB5];
	_ =	sdelay $0x3  }
0x33: {  	p0 =	seq.s32 s10, $0x1;
	s10 =	sld [smem:$0x3FB7];
	_ =	sdelay $0x3  }
0x34: {  	[smem:$0x3FB7] =	sst s10  }
0x35: {  	s10 =	sld [smem:$0x3FB6];
	_ =	sdelay $0x3  }
0x36: {  	p1 =	seq.s32 s10, $0x1;
	s10 =	sld [smem:$0x3FB7];
	_ =	sdelay $0x3  }
0x37: {  	[smem:$0x3FB7] =	sst s10  }
0x38: {  	s10 =	sld [smem:$0x3FB8]  }
0x39: {  	_ = 	snop;
	(pc) =	sbr.ind lr, $3  }
0x3a: {  	_ = 	snop  }
0x3b: {  	_ = 	snop  }
0x3c: {  	p2 =	seq.s32 s10, $0x1;
	s10 =	sld [smem:$0x3FB7]  }
0x3d: {  	_ =	shalt  }
0x3e: {  	_ =	shalt  }
0x3f: {  	_ =	shalt  }
0x40: {  	_ =	shalt  }
0x41: {  	_ =	shalt  }
0x42: {  	_ =	shalt  }
0x43: {  	_ =	shalt  }
0x44: {  	_ =	shalt  }
0x45: {  	_ =	shalt  }
0x46: {  	_ =	shalt  }
0x47: {  	_ =	shalt  }
0x48: {  	_ =	shalt  }
0x49: {  	_ =	shalt  }
0x4a: {  	_ =	shalt  }
0x4b: {  	_ =	shalt  }
0x4c: {  	_ =	shalt  }
0x4d: {  	_ =	shalt  }
0x4e: {  	_ =	shalt  }
0x4f: {  	_ =	shalt  }
0x50: {  	_ =	shalt  }
0x51: {  	_ =	shalt  }
0x52: {  	_ =	shalt  }
0x53: {  	_ =	shalt  }
0x54: {  	_ =	shalt  }
0x55: {  	_ =	shalt  }
0x56: {  	_ =	shalt  }
0x57: {  	_ =	shalt  }
0x58: {  	_ =	shalt  }
0x59: {  	_ =	shalt  }
0x5a: {  	_ =	shalt  }
0x5b: {  	_ =	shalt  }
0x5c: {  	_ =	shalt  }
0x5d: {  	_ =	shalt  }
0x5e: {  	_ =	shalt  }
0x5f: {  	_ =	shalt  }
0x60: {  	_ =	shalt  }
0x61: {  	_ =	shalt  }
0x62: {  	_ =	shalt  }
0x63: {  	_ =	shalt  }
0x64: {  	_ =	shalt  }
0x65: {  	_ =	shalt  }
0x66: {  	_ =	shalt  }
0x67: {  	_ =	shalt  }
0x68: {  	_ =	shalt  }
0x69: {  	_ =	shalt  }
0x6a: {  	_ =	shalt  }
0x6b: {  	_ =	shalt  }
0x6c: {  	_ =	shalt  }
0x6d: {  	_ =	shalt  }
0x6e: {  	_ =	shalt  }
0x6f: {  	_ =	shalt  }
0x70: {  	_ =	shalt  }
0x71: {  	_ =	shalt  }
0x72: {  	_ =	shalt  }
0x73: {  	_ =	shalt  }
0x74: {  	_ =	shalt  }
0x75: {  	_ =	shalt  }
0x76: {  	_ =	shalt  }
0x77: {  	_ =	shalt  }
0x78: {  	_ =	shalt  }
0x79: {  	_ =	shalt  }
0x7a: {  	_ =	shalt  }
0x7b: {  	_ =	shalt  }
0x7c: {  	_ =	shalt  }
0x7d: {  	_ =	shalt  }
0x7e: {  	_ =	shalt  }
0x7f: {  	_ =	shalt  }
0x80: {  	_ =	shalt  }
0x81: {  	_ =	shalt  }
0x82: {  	_ =	shalt  }
0x83: {  	_ =	shalt  }
0x84: {  	_ =	shalt  }
0x85: {  	_ =	shalt  }
0x86: {  	_ =	shalt  }
0x87: {  	_ =	shalt  }
.Lfunc_end0:
.L_simem_size_0:
called_computation_lowered:
.L_overlay_start_0:
0x88: {  	s0 =	sld [smem:$0x3FD9]  }
0x89: {  	s1 =	sld [smem:$0x3FFE];
	_ =	sdelay $0x3  }
0x8a: {  	s0 =	sadd.s32 s1, s0  }
0x8b: {  	[smem:$0x3FC3] =	sst s0  }
0x8c: {  	_ = 	snop  }
0x8d: {  	s0 =	sld [smem:$0x3FC9]  }
0x8e: {  	s16 =	sld [smem:$0x3FC8]  }
0x8f: {  	s2 =	sld [smem:$0x3FC7]  }
0x90: {  	s3 =	sld [smem:$0x3FC6]  }
0x91: {  	s4 =	sld [smem:$0x3FC5]  }
0x92: {  	s5 =	sld [smem:$0x3FD0];
	(tm) =	ssettm $0x1  }
0x93: {  	s6 =	sld [smem:$0x3FFB];
	_ =	sdelay $0x3  }
0x94: {  	_ =	strace s6  }
0x95: {  	s6 =	sld [smem:$0x3FFC];
	_ =	sdelay $0x3  }
0x96: {  	_ =	strace s6  }
0x97: {  	s6 =	sld [smem:$0x3FFD];
	_ =	sdelay $0x3  }
0x98: {  	_ =	strace s6  }
0x99: {  	_ =	strace $0x8FFFFFFF  }
0x9a: {  	s17 =	sld [smem:$0x3FDB];
	_ =	sdelay $0x1  }
0x9b: {  	s7 =	simm.s32 $_scs_section_size  }
0x9c: {  	s8 =	simm.s32 $_size__tile_overlayer_lowered;
	s9 =	simm.s32 $_tile_overlayer_lowered  }
0x9d: {  	s20 =	simm.s32 $0x1BFF;
	s19 =	sshll.u32 s9, $0x1;
	s6 =	sadd.s32 s7, s17  }
0x9e: {  	s10 =	simm.s32 $0x0;
	s18 =	sshll.u32 s8, $0x1;
	s8 =	sadd.s32 s19, s6  }
0x9f: {  	[timem:s10], [sflag:s20] =	dma.local [hbm:s8], s18  }
0xa0: {  	_ =	swait.ge [sflag:s20], s18  }
0xa1: {  	s7 =	ssub.s32 $0x0, s18;
	[sflag:s20] =	ssyncset.done $0x0  }
0xa2: {  	[sflag:s20] =	ssyncadd.s32 s7;
	_ =	sdelay $0x1  }
0xa3: {  	s21 =	simm.s32 $0x1B8B  }
0xa4: {  	_ =	swait.ge [sflag:s21], $0x1  }
0xa5: {  	[sflag:s21] =	ssyncset.done $0x0  }
0xa6: {  	s23 =	simm.s32 $0x1B8E;
	s22 =	sld [smem:$0x3FFE];
	[sflag:s21] =	ssyncadd.s32 $0xFFFFFFFF  }
0xa7: {  	s24 =	simm.s32 $execute0_lowered;
	[smem:$0x3FD2] =	sst s23  }
0xa8: {  	s8 =	sshll.u32 s24, $0x1;
	_ =	strace $0x80000046;
	[dreg:$0x1] =	wrdreg $0xFFFFFFFF  }
0xa9: {  	s25 =	simm.s32 $_size_execute0_lowered;
	s6 =	sadd.s32 s6, s8;
	[dreg:$0x0] =	wrdreg $0x0  }
0xaa: {  	s8 =	sshll.u32 s25, $0x1;
	[dreg:$0x2] =	wrdreg s6  }
0xab: {  	[dreg:$0x3] =	wrdreg s8  }
0xac: {  	[dreg:$0x4] =	wrdreg $0xC0  }
0xad: {  	_ =	task [dreg:s10], $0x5FFFF  }
0xae: {  	[dreg:$0x1] =	wrdreg $0xFFFFFFFF  }
0xaf: {  	[dreg:$0x0] =	wrdreg $0x60  }
0xb0: {  	[dreg:$0x2] =	wrdreg s0  }
0xb1: {  	[dreg:$0x3] =	wrdreg s2  }
0xb2: {  	[dreg:$0x4] =	wrdreg s4  }
0xb3: {  	[dreg:$0x5] =	wrdreg s16  }
0xb4: {  	[dreg:$0x6] =	wrdreg s3  }
0xb5: {  	[dreg:$0x7] =	wrdreg s5  }
0xb6: {  	[dreg:$0x8] =	wrdreg s22  }
0xb7: {  	[dreg:$0x9] =	wrdreg $0x9  }
0xb8: {  	_ =	task.clear_ibuf [dreg:s10], $0xAFFFF;
	_ =	strace $0x90000046  }
0xb9: {  	s26 =	simm.s32 $0x9;
	_ =	strace $0x80000048  }
0xba: {  	_ =	swait.ge [sflag:s26], $0x1  }
0xbb: {  	[sflag:s26] =	ssyncadd.s32 $0xFFFFFFFF  }
0xbc: {  	_ =	strace $0x90000048  }
0xbd: {  	_ =	sfence  }
0xbe: {  	s28 =	sld [smem:$0x0];
	_ =	sdelay $0x1  }
0xbf: {  	s29 =	srdreg.scid  }
0xc0: {  	s30 =	sshll.u32 s29, $0xD;
	s31 =	sshrl.u32 s29, $0x2  }
0xc1: {  	s1 =	sand.u32 $0x1, s29;
	s2 =	sand.u32 $0x4000, s30;
	s0 =	sadd.s32 s31, s28  }
0xc2: {  	s1 =	sor.u32 s2, s1;
	s0 =	sshll.u32 s0, $0x11  }
0xc3: {  	s0 =	sor.u32 s0, s1  }
0xc4: {  	s0 =	sadd.s32 $0x8F2B, s0  }
0xc5: {  	[sflag:s0] =	ssyncadd.remote.s32 $0x1  }
0xc6: {  	_ =	sfence.sel $0xFFFF  }
0xc7: {  	[dreg:$0x0] =	wrdreg $0xFFFFFFFF;
	(pc) =	sbr.abs _section_cstart, $3  }
0xc8: {  	[dreg:$0x1] =	wrdreg $0xFFFFFFFF  }
0xc9: {  	_ =	task.clear_ibuf [dreg:s10], $0x2FFFF;
	_ =	strace $0x9FFFFFFF  }
0xca: {  	(tm) =	ssettm $0x7FFFFFFF  }
0xcb: {  	_ =	shalt  }
tec
execute0_lowered:
.L_overlay_start_1:
0x0: {  	(tag) =	ssettag $0x1  }
0x1: {  	s5 =	rddreg [dreg:$0x0]  }
0x2: {  	s6 =	rddreg [dreg:$0x1]  }
0x3: {  	s7 =	rddreg [dreg:$0x2]  }
0x4: {  	s8 =	rddreg [dreg:$0x3]  }
0x5: {  	s9 =	rddreg [dreg:$0x4]  }
0x6: {  	s1 =	rddreg [dreg:$0x5]  }
0x7: {  	s4 =	rddreg [dreg:$0x6];
	s2 =	simm.s32 $0x0;
	s3 =	stileid.u32  }
0x8: {  	[smem:$0x7FF] =	sst s2;
	s10 =	sshll.u32 s3, $0x6  }
0x9: {  	s0 =	rddreg [dreg:$0x7];
	_ =	strace $0x80000047;
	s6 =	sadd.s32 s6, s10  }
0xa: {  	[tilespmem:s2], [sflag:$0x1] =	stream.linear.gather [hbm4b:s6+s2], $0x200, $0x38;
	[tilespmem:$0x1D80] =	vst v63  }
0xb: {  	s31 =	simm.s32 $0x200;
	s30 =	sadd.s32 s7, s10  }
0xc: {  	[tilespmem:s31], [sflag:$0x1] =	stream.linear.gather [hbm4b:s30+s2], $0x200, $0x38;
	[tilespmem:$0x1D80] =	vst v63  }
0xd: {  	s11 =	simm.s32 $0x400;
	s8 =	sadd.s32 s8, s10  }
0xe: {  	[tilespmem:s11], [sflag:$0x2] =	stream.linear.gather [hbm4b:s8+s2], $0x200, $0x38;
	[tilespmem:$0x1D80] =	vst v63  }
0xf: {  	s13 =	simm.s32 $0x600;
	s14 =	simm.s32 $0x1;
	s12 =	sadd.s32 s9, s10  }
0x10: {  	[tilespmem:s13], [sflag:$0x2] =	stream.linear.gather [hbm4b:s12+s2], $0x200, $0x38;
	[tilespmem:$0x1D80] =	vst v63  }
0x11: {  	_ =	swait.ge [sflag:s14], $0x200  }
0x12: {  	[sflag:s14] =	ssyncset.done $0x0  }
0x13: {  	[sflag:s14] =	ssyncadd.s32 $0xFFFFFE00  }
0x14: {  	_ =	swait.ge [sflag:s14], $0x200  }
0x15: {  	[sflag:s14] =	ssyncset.done $0x0  }
0x16: {  	[sflag:s14] =	ssyncadd.s32 $0xFFFFFE00  }
0x17: {  	v0 =	vld [tilespmem:$0x0]  }
0x18: {  	v1 =	vld [tilespmem:$0x200]  }
0x19: {  	v2 =	vld [tilespmem:$0x10]  }
0x1a: {  	v3 =	vld [tilespmem:$0x210]  }
0x1b: {  	v4 =	vld [tilespmem:$0x20]  }
0x1c: {  	v5 =	vld [tilespmem:$0x220]  }
0x1d: {  	v6 =	vld [tilespmem:$0x30]  }
0x1e: {  	v7 =	vld [tilespmem:$0x230]  }
0x1f: {  	v8 =	vld [tilespmem:$0x40]  }
0x20: {  	v9 =	vld [tilespmem:$0x240]  }
0x21: {  	v10 =	vld [tilespmem:$0x50]  }
0x22: {  	v11 =	vld [tilespmem:$0x250]  }
0x23: {  	v12 =	vld [tilespmem:$0x60]  }
0x24: {  	v13 =	vld [tilespmem:$0x260]  }
0x25: {  	v14 =	vld [tilespmem:$0x70]  }
0x26: {  	v15 =	vld [tilespmem:$0x270]  }
0x27: {  	v16 =	vld [tilespmem:$0x80]  }
0x28: {  	v17 =	vld [tilespmem:$0x280]  }
0x29: {  	v18 =	vld [tilespmem:$0x90]  }
0x2a: {  	v19 =	vld [tilespmem:$0x290]  }
0x2b: {  	v20 =	vld [tilespmem:$0xA0]  }
0x2c: {  	v21 =	vld [tilespmem:$0x2A0]  }
0x2d: {  	v22 =	vld [tilespmem:$0xB0]  }
0x2e: {  	v23 =	vld [tilespmem:$0x2B0]  }
0x2f: {  	v24 =	vld [tilespmem:$0xC0]  }
0x30: {  	v25 =	vld [tilespmem:$0x2C0]  }
0x31: {  	v26 =	vld [tilespmem:$0xD0]  }
0x32: {  	v27 =	vld [tilespmem:$0x2D0]  }
0x33: {  	v28 =	vld [tilespmem:$0xE0]  }
0x34: {  	v29 =	vld [tilespmem:$0x2E0]  }
0x35: {  	v30 =	vld [tilespmem:$0xF0]  }
0x36: {  	v31 =	vld [tilespmem:$0x2F0]  }
0x37: {  	v32 =	vld [tilespmem:$0x100]  }
0x38: {  	v33 =	vld [tilespmem:$0x300]  }
0x39: {  	v34 =	vld [tilespmem:$0x110]  }
0x3a: {  	v35 =	vld [tilespmem:$0x310]  }
0x3b: {  	s15 =	sshll.u32 s3, $0x13;
	v36 =	vld [tilespmem:$0x120];
	v1 =	vshll.u32 v1, $0xE  }
0x3c: {  	v37 =	vld [tilespmem:$0x320];
	v0 =	vadd.s32 s15, v0;
	v49 =	vshll.u32 v3, $0xE;
	v2 =	vadd.s32 s15, v2  }
0x3d: {  	v3 =	vld [tilespmem:$0x130];
	v51 =	vshll.u32 v5, $0xE;
	v52 =	vadd.s32 s15, v4;
	v0 =	vadd.s32 v1, v0  }
0x3e: {  	v4 =	vld [tilespmem:$0x330];
	v54 =	vshll.u32 v7, $0xE;
	v55 =	vadd.s32 s15, v6;
	v50 =	vadd.s32 v49, v2;
	[tilespmem:$0x800] =	vst v0  }
0x3f: {  	v5 =	vld [tilespmem:$0x140];
	v57 =	vshll.u32 v9, $0xE;
	v58 =	vadd.s32 s15, v8;
	v53 =	vadd.s32 v51, v52;
	[tilespmem:$0x810] =	vst v50  }
0x40: {  	v6 =	vld [tilespmem:$0x340];
	v60 =	vshll.u32 v11, $0xE;
	v61 =	vadd.s32 s15, v10;
	v56 =	vadd.s32 v54, v55;
	[tilespmem:$0x820] =	vst v53  }
0x41: {  	v7 =	vld [tilespmem:$0x150];
	v63 =	vshll.u32 v13, $0xE;
	v13 =	vadd.s32 s15, v12;
	v59 =	vadd.s32 v57, v58;
	[tilespmem:$0x830] =	vst v56  }
0x42: {  	s16 =	sor.u32 $0x20000, s15;
	v8 =	vld [tilespmem:$0x350];
	v39 =	vshll.u32 v15, $0xE;
	v40 =	vadd.s32 s15, v14;
	v62 =	vadd.s32 v60, v61;
	[tilespmem:$0x840] =	vst v59  }
0x43: {  	v9 =	vld [tilespmem:$0x160];
	v42 =	vshll.u32 v17, $0xE;
	v43 =	vadd.s32 s16, v16;
	v38 =	vadd.s32 v63, v13;
	[tilespmem:$0x850] =	vst v62  }
0x44: {  	v10 =	vld [tilespmem:$0x360];
	v45 =	vshll.u32 v19, $0xE;
	v46 =	vadd.s32 s16, v18;
	v41 =	vadd.s32 v39, v40;
	[tilespmem:$0x860] =	vst v38  }
0x45: {  	v11 =	vld [tilespmem:$0x170];
	v48 =	vshll.u32 v21, $0xE;
	v21 =	vshll.u32 v31, $0xE;
	v44 =	vadd.s32 v42, v43;
	[tilespmem:$0x870] =	vst v41  }
0x46: {  	v12 =	vld [tilespmem:$0x370];
	v47 =	vadd.s32 v45, v46;
	v49 =	vadd.s32 s16, v20;
	v51 =	vshll.u32 v23, $0xE;
	[tilespmem:$0x880] =	vst v44  }
0x47: {  	v15 =	vld [tilespmem:$0x190];
	v52 =	vadd.s32 s16, v22;
	v54 =	vshll.u32 v25, $0xE;
	[tilespmem:$0x890] =	vst v47;
	v50 =	vadd.s32 v48, v49  }
0x48: {  	v17 =	vld [tilespmem:$0x1A0];
	v55 =	vadd.s32 s16, v24;
	v58 =	vshll.u32 v27, $0xE;
	v53 =	vadd.s32 v51, v52;
	[tilespmem:$0x8A0] =	vst v50  }
0x49: {  	s17 =	sor.u32 $0x40000, s15;
	v14 =	vld [tilespmem:$0x3F0];
	v22 =	vadd.s32 s16, v30;
	v24 =	vshll.u32 v33, $0xE;
	v57 =	vadd.s32 v54, v55;
	[tilespmem:$0x8B0] =	vst v53  }
0x4a: {  	v13 =	vld [tilespmem:$0x180];
	v25 =	vadd.s32 s17, v32;
	v32 =	vshll.u32 v37, $0xE;
	v23 =	vadd.s32 v21, v22;
	[tilespmem:$0x8C0] =	vst v57  }
0x4b: {  	v63 =	vld [tilespmem:$0x390];
	v33 =	vadd.s32 s17, v36;
	v59 =	vadd.s32 s16, v26;
	v27 =	vadd.s32 v24, v25;
	[tilespmem:$0x8F0] =	vst v23  }
0x4c: {  	v30 =	vld [tilespmem:$0x1B0];
	v62 =	vadd.s32 s16, v28;
	v28 =	vshll.u32 v35, $0xE;
	v35 =	vadd.s32 v32, v33;
	[tilespmem:$0x900] =	vst v27  }
0x4d: {  	v61 =	vshll.u32 v29, $0xE;
	v29 =	vadd.s32 s17, v34;
	v34 =	vld [tilespmem:$0x3B0];
	v60 =	vadd.s32 v58, v59;
	[tilespmem:$0x920] =	vst v35  }
0x4e: {  	v42 =	vld [tilespmem:$0x3C0];
	v20 =	vadd.s32 v61, v62;
	v31 =	vadd.s32 v28, v29;
	[tilespmem:$0x8D0] =	vst v60;
	v36 =	vshll.u32 v4, $0xE  }
0x4f: {  	v46 =	vld [tilespmem:$0x1D0];
	[tilespmem:$0x8E0] =	vst v20;
	v37 =	vadd.s32 s17, v3;
	v40 =	vshll.u32 v6, $0xE;
	v41 =	vadd.s32 s17, v5  }
0x50: {  	v56 =	vld [tilespmem:$0x380];
	[tilespmem:$0x910] =	vst v31;
	v44 =	vshll.u32 v8, $0xE;
	v45 =	vadd.s32 s17, v7;
	v39 =	vadd.s32 v36, v37  }
0x51: {  	v26 =	vld [tilespmem:$0x3A0];
	v48 =	vshll.u32 v10, $0xE;
	v49 =	vadd.s32 s17, v9;
	v43 =	vadd.s32 v40, v41;
	[tilespmem:$0x930] =	vst v39  }
0x52: {  	s6 =	sor.u32 $0x60000, s15;
	v38 =	vld [tilespmem:$0x1C0];
	v52 =	vshll.u32 v12, $0xE;
	v53 =	vadd.s32 s17, v11;
	v47 =	vadd.s32 v44, v45;
	[tilespmem:$0x940] =	vst v43  }
0x53: {  	v54 =	vld [tilespmem:$0x1E0];
	v61 =	vadd.s32 s6, v15;
	v51 =	vadd.s32 v48, v49;
	v55 =	vadd.s32 v52, v53;
	[tilespmem:$0x950] =	vst v47  }
0x54: {  	v50 =	vld [tilespmem:$0x3D0];
	v57 =	vadd.s32 s6, v13;
	v60 =	vshll.u32 v63, $0xE;
	v13 =	vadd.s32 s6, v17;
	[tilespmem:$0x960] =	vst v51  }
0x55: {  	v58 =	vld [tilespmem:$0x3E0];
	v16 =	vshll.u32 v34, $0xE;
	v17 =	vadd.s32 s6, v30;
	[tilespmem:$0x970] =	vst v55;
	v63 =	vadd.s32 v60, v61  }
0x56: {  	v62 =	vld [tilespmem:$0x1F0];
	v56 =	vshll.u32 v56, $0xE;
	v18 =	vadd.s32 v16, v17;
	[tilespmem:$0x990] =	vst v63  }
0x57: {  	v12 =	vshll.u32 v26, $0xE;
	v59 =	vadd.s32 v56, v57;
	[tilespmem:$0x9B0] =	vst v18  }
0x58: {  	v19 =	vshll.u32 v42, $0xE;
	v20 =	vadd.s32 s6, v38;
	v15 =	vadd.s32 v12, v13;
	[tilespmem:$0x980] =	vst v59  }
0x59: {  	v23 =	vadd.s32 s6, v46;
	v21 =	vadd.s32 v19, v20;
	v22 =	vshll.u32 v50, $0xE;
	[tilespmem:$0x9A0] =	vst v15  }
0x5a: {  	v26 =	vadd.s32 s6, v54;
	v25 =	vshll.u32 v58, $0xE;
	[tilespmem:$0x9C0] =	vst v21;
	v24 =	vadd.s32 v22, v23  }
0x5b: {  	v28 =	vshll.u32 v14, $0xE;
	v29 =	vadd.s32 s6, v62;
	v27 =	vadd.s32 v25, v26;
	[tilespmem:$0x9D0] =	vst v24  }
0x5c: {  	v30 =	vadd.s32 v28, v29;
	[tilespmem:$0x9E0] =	vst v27  }
0x5d: {  	s18 =	simm.s32 $0x80;
	s19 =	simm.s32 $0x800;
	s20 =	simm.s32 $0xA00;
	[tilespmem:$0x9F0] =	vst v30  }
0x5e: {  	[tilespmem:s20], [sflag:$0x3] =	stream.indirect.gather [hbm4b:s5+s18], $0x1, s19, s18, $0xb8;
	[tilespmem:$0x1D80] =	vst v63  }
0x5f: {  	s21 =	simm.s32 $0x880;
	s22 =	simm.s32 $0xA80  }
0x60: {  	[tilespmem:s22], [sflag:$0x3] =	stream.indirect.gather [hbm4b:s5+s18], $0x1, s21, s18, $0xb8;
	[tilespmem:$0x1D80] =	vst v63  }
0x61: {  	s23 =	simm.s32 $0x900;
	s24 =	simm.s32 $0xB00  }
0x62: {  	[tilespmem:s24], [sflag:$0x3] =	stream.indirect.gather [hbm4b:s5+s18], $0x1, s23, s18, $0xb8;
	[tilespmem:$0x1D80] =	vst v63  }
0x63: {  	s25 =	simm.s32 $0x980;
	s26 =	simm.s32 $0xB80;
	s28 =	simm.s32 $0x2  }
0x64: {  	[tilespmem:s26], [sflag:$0x3] =	stream.indirect.gather [hbm4b:s5+s18], $0x1, s25, s18, $0xb8;
	[tilespmem:$0x1D80] =	vst v63  }
0x65: {  	_ =	swait.ge [sflag:s28], $0x200  }
0x66: {  	[sflag:s28] =	ssyncset.done $0x0  }
0x67: {  	[sflag:s28] =	ssyncadd.s32 $0xFFFFFE00  }
0x68: {  	_ =	swait.ge [sflag:s28], $0x200  }
0x69: {  	[sflag:s28] =	ssyncset.done $0x0  }
0x6a: {  	[sflag:s28] =	ssyncadd.s32 $0xFFFFFE00  }
0x6b: {  	v31 =	vld [tilespmem:$0x600];
	_ =	sdelay $0x1  }
0x6c: {  	v32 =	vld [tilespmem:$0x610];
	_ =	sdelay $0x1  }
0x6d: {  	v33 =	vld [tilespmem:$0x620]  }
0x6e: {  	v0 =	vadd.f32 $0.0e+00, v31  }
0x6f: {  	v34 =	vld [tilespmem:$0x630]  }
0x70: {  	v0 =	vadd.f32 v32, v0  }
0x71: {  	v35 =	vld [tilespmem:$0x640]  }
0x72: {  	v0 =	vadd.f32 v33, v0  }
0x73: {  	v36 =	vld [tilespmem:$0x650]  }
0x74: {  	v0 =	vadd.f32 v34, v0  }
0x75: {  	v37 =	vld [tilespmem:$0x660]  }
0x76: {  	v0 =	vadd.f32 v35, v0  }
0x77: {  	v38 =	vld [tilespmem:$0x670]  }
0x78: {  	v0 =	vadd.f32 v36, v0  }
0x79: {  	v39 =	vld [tilespmem:$0x680]  }
0x7a: {  	v0 =	vadd.f32 v37, v0  }
0x7b: {  	v40 =	vld [tilespmem:$0x690]  }
0x7c: {  	v0 =	vadd.f32 v38, v0  }
0x7d: {  	v41 =	vld [tilespmem:$0x6A0]  }
0x7e: {  	v0 =	vadd.f32 v39, v0  }
0x7f: {  	v42 =	vld [tilespmem:$0x6B0]  }
0x80: {  	v0 =	vadd.f32 v40, v0  }
0x81: {  	v43 =	vld [tilespmem:$0x6C0]  }
0x82: {  	v0 =	vadd.f32 v41, v0  }
0x83: {  	v44 =	vld [tilespmem:$0x6D0]  }
0x84: {  	v0 =	vadd.f32 v42, v0  }
0x85: {  	v45 =	vld [tilespmem:$0x6E0]  }
0x86: {  	v0 =	vadd.f32 v43, v0  }
0x87: {  	v46 =	vld [tilespmem:$0x6F0]  }
0x88: {  	v0 =	vadd.f32 v44, v0  }
0x89: {  	v47 =	vld [tilespmem:$0x700]  }
0x8a: {  	v0 =	vadd.f32 v45, v0  }
0x8b: {  	v48 =	vld [tilespmem:$0x710]  }
0x8c: {  	v0 =	vadd.f32 v46, v0  }
0x8d: {  	v49 =	vld [tilespmem:$0x720]  }
0x8e: {  	v0 =	vadd.f32 v47, v0  }
0x8f: {  	v50 =	vld [tilespmem:$0x730]  }
0x90: {  	v0 =	vadd.f32 v48, v0  }
0x91: {  	v51 =	vld [tilespmem:$0x740]  }
0x92: {  	v0 =	vadd.f32 v49, v0  }
0x93: {  	v52 =	vld [tilespmem:$0x750]  }
0x94: {  	v0 =	vadd.f32 v50, v0  }
0x95: {  	v53 =	vld [tilespmem:$0x760]  }
0x96: {  	v0 =	vadd.f32 v51, v0  }
0x97: {  	v54 =	vld [tilespmem:$0x770]  }
0x98: {  	v0 =	vadd.f32 v52, v0  }
0x99: {  	v55 =	vld [tilespmem:$0x780]  }
0x9a: {  	v0 =	vadd.f32 v53, v0  }
0x9b: {  	v56 =	vld [tilespmem:$0x790]  }
0x9c: {  	v0 =	vadd.f32 v54, v0  }
0x9d: {  	v57 =	vld [tilespmem:$0x7A0]  }
0x9e: {  	v0 =	vadd.f32 v55, v0  }
0x9f: {  	v58 =	vld [tilespmem:$0x7B0]  }
0xa0: {  	v0 =	vadd.f32 v56, v0  }
0xa1: {  	v59 =	vld [tilespmem:$0x7C0]  }
0xa2: {  	v0 =	vadd.f32 v57, v0  }
0xa3: {  	v60 =	vld [tilespmem:$0x7D0]  }
0xa4: {  	v0 =	vadd.f32 v58, v0  }
0xa5: {  	v61 =	vld [tilespmem:$0x7E0]  }
0xa6: {  	v0 =	vadd.f32 v59, v0  }
0xa7: {  	v62 =	vld [tilespmem:$0x7F0]  }
0xa8: {  	v0 =	vadd.f32 v60, v0;
	_ =	sdelay $0x1  }
0xa9: {  	v0 =	vadd.f32 v61, v0;
	_ =	sdelay $0x1  }
0xaa: {  	v0 =	vadd.f32 v62, v0;
	_ =	sdelay $0x1  }
0xab: {  	s29 =	simm.s32 $0x3;
	[tilespmem:$0xC80] =	vst v0  }
0xac: {  	_ =	swait.ge [sflag:s29], $0x80  }
0xad: {  	[sflag:s29] =	ssyncset.done $0x0  }
0xae: {  	[sflag:s29] =	ssyncadd.s32 $0xFFFFFF80  }
0xaf: {  	_ =	swait.ge [sflag:s29], $0x80  }
0xb0: {  	[sflag:s29] =	ssyncset.done $0x0  }
0xb1: {  	[sflag:s29] =	ssyncadd.s32 $0xFFFFFF80  }
0xb2: {  	_ =	swait.ge [sflag:s29], $0x80  }
0xb3: {  	[sflag:s29] =	ssyncset.done $0x0  }
0xb4: {  	[sflag:s29] =	ssyncadd.s32 $0xFFFFFF80  }
0xb5: {  	_ =	swait.ge [sflag:s29], $0x80  }
0xb6: {  	[sflag:s29] =	ssyncset.done $0x0  }
0xb7: {  	[sflag:s29] =	ssyncadd.s32 $0xFFFFFF80  }
0xb8: {  	v0 =	vld [tilespmem:$0xA00]  }
0xb9: {  	v1 =	vld [tilespmem:$0x600]  }
0xba: {  	v2 =	vld [tilespmem:$0x400]  }
0xbb: {  	v3 =	vld [tilespmem:$0xA10]  }
0xbc: {  	v4 =	vld [tilespmem:$0x610]  }
0xbd: {  	v5 =	vld [tilespmem:$0x410]  }
0xbe: {  	v63 =	vld [tilespmem:$0xA20]  }
0xbf: {  	v7 =	vld [tilespmem:$0x620]  }
0xc0: {  	v8 =	vld [tilespmem:$0x420]  }
0xc1: {  	v40 =	vld [tilespmem:$0xA30]  }
0xc2: {  	v10 =	vld [tilespmem:$0x630]  }
0xc3: {  	v41 =	vld [tilespmem:$0x430]  }
0xc4: {  	v42 =	vld [tilespmem:$0xA40]  }
0xc5: {  	v43 =	vld [tilespmem:$0x640]  }
0xc6: {  	v44 =	vld [tilespmem:$0x440]  }
0xc7: {  	v45 =	vld [tilespmem:$0xA50]  }
0xc8: {  	v46 =	vld [tilespmem:$0x650]  }
0xc9: {  	v47 =	vld [tilespmem:$0x450]  }
0xca: {  	v48 =	vld [tilespmem:$0xA60]  }
0xcb: {  	v49 =	vld [tilespmem:$0x660]  }
0xcc: {  	v50 =	vld [tilespmem:$0x460]  }
0xcd: {  	v51 =	vld [tilespmem:$0xA70]  }
0xce: {  	v52 =	vld [tilespmem:$0x670]  }
0xcf: {  	v53 =	vld [tilespmem:$0x470]  }
0xd0: {  	v54 =	vld [tilespmem:$0xA80]  }
0xd1: {  	v55 =	vld [tilespmem:$0x680]  }
0xd2: {  	v56 =	vld [tilespmem:$0x480]  }
0xd3: {  	v57 =	vld [tilespmem:$0xA90]  }
0xd4: {  	v58 =	vld [tilespmem:$0x690]  }
0xd5: {  	v59 =	vld [tilespmem:$0x490]  }
0xd6: {  	v60 =	vld [tilespmem:$0xAA0]  }
0xd7: {  	v61 =	vld [tilespmem:$0x6A0]  }
0xd8: {  	v62 =	vld [tilespmem:$0x4A0]  }
0xd9: {  	v33 =	vld [tilespmem:$0xAB0]  }
0xda: {  	v34 =	vld [tilespmem:$0x6B0]  }
0xdb: {  	v35 =	vld [tilespmem:$0x4B0]  }
0xdc: {  	v36 =	vld [tilespmem:$0xAC0]  }
0xdd: {  	v37 =	vld [tilespmem:$0x6C0]  }
0xde: {  	v38 =	vld [tilespmem:$0x4C0]  }
0xdf: {  	v6 =	vld [tilespmem:$0x6E0];
	v0 =	vmul.f32 v1, v0;
	v1 =	vmul.f32 v2, v1  }
0xe0: {  	v12 =	vld [tilespmem:$0xAF0];
	v3 =	vmul.f32 v4, v3;
	v4 =	vmul.f32 v5, v4  }
0xe1: {  	v9 =	vld [tilespmem:$0x6F0];
	v63 =	vmul.f32 v7, v63  }
0xe2: {  	v14 =	vld [tilespmem:$0xB00];
	v39 =	vmul.f32 v8, v7;
	v0 =	vsub.f32 v0, v1;
	v3 =	vsub.f32 v3, v4  }
0xe3: {  	v16 =	vld [tilespmem:$0x700];
	v40 =	vmul.f32 v10, v40;
	v41 =	vmul.f32 v41, v10  }
0xe4: {  	v13 =	vld [tilespmem:$0x500];
	v1 =	vsub.f32 v63, v39;
	v0 =	vand.u32 $0x7FFFFFFF, v0;
	v3 =	vand.u32 $0x7FFFFFFF, v3  }
0xe5: {  	v18 =	vld [tilespmem:$0x710];
	v42 =	vmul.f32 v43, v42;
	v0 =	vadd.f32 v3, v0  }
0xe6: {  	v17 =	vld [tilespmem:$0xB20];
	v43 =	vmul.f32 v44, v43;
	v8 =	vsub.f32 v40, v41;
	v1 =	vand.u32 $0x7FFFFFFF, v1  }
0xe7: {  	v21 =	vld [tilespmem:$0x730];
	v45 =	vmul.f32 v46, v45;
	v0 =	vadd.f32 v1, v0  }
0xe8: {  	v25 =	vld [tilespmem:$0x590];
	v46 =	vmul.f32 v47, v46;
	v44 =	vsub.f32 v42, v43;
	v8 =	vand.u32 $0x7FFFFFFF, v8  }
0xe9: {  	v26 =	vld [tilespmem:$0xBA0];
	v47 =	vmul.f32 v49, v48;
	v0 =	vadd.f32 v8, v0  }
0xea: {  	v28 =	vld [tilespmem:$0x7A0];
	v48 =	vmul.f32 v50, v49;
	v11 =	vsub.f32 v45, v46;
	v1 =	vand.u32 $0x7FFFFFFF, v44  }
0xeb: {  	v30 =	vld [tilespmem:$0x5A0];
	v50 =	vmul.f32 v52, v51;
	v0 =	vadd.f32 v1, v0  }
0xec: {  	v31 =	vld [tilespmem:$0xBB0];
	v51 =	vmul.f32 v53, v52;
	v49 =	vsub.f32 v47, v48;
	v11 =	vand.u32 $0x7FFFFFFF, v11  }
0xed: {  	v2 =	vld [tilespmem:$0xAD0];
	v52 =	vmul.f32 v55, v54;
	v0 =	vadd.f32 v11, v0  }
0xee: {  	v5 =	vld [tilespmem:$0x6D0];
	v53 =	vmul.f32 v56, v55;
	v15 =	vsub.f32 v50, v51;
	v1 =	vand.u32 $0x7FFFFFFF, v49  }
0xef: {  	v7 =	vld [tilespmem:$0x4D0];
	v56 =	vmul.f32 v58, v57;
	v0 =	vadd.f32 v1, v0  }
0xf0: {  	v10 =	vld [tilespmem:$0x4E0];
	v57 =	vmul.f32 v59, v58;
	v55 =	vsub.f32 v52, v53;
	v15 =	vand.u32 $0x7FFFFFFF, v15  }
0xf1: {  	v54 =	vld [tilespmem:$0x510];
	v59 =	vmul.f32 v61, v60;
	v0 =	vadd.f32 v15, v0  }
0xf2: {  	v58 =	vld [tilespmem:$0x520];
	v60 =	vmul.f32 v62, v61;
	v19 =	vsub.f32 v56, v57;
	v1 =	vand.u32 $0x7FFFFFFF, v55  }
0xf3: {  	v61 =	vld [tilespmem:$0xB30];
	v32 =	vmul.f32 v34, v33;
	v0 =	vadd.f32 v1, v0  }
0xf4: {  	v33 =	vmul.f32 v35, v34;
	v4 =	vld [tilespmem:$0xAE0];
	v62 =	vsub.f32 v59, v60;
	v19 =	vand.u32 $0x7FFFFFFF, v19  }
0xf5: {  	v34 =	vld [tilespmem:$0xB40];
	v35 =	vmul.f32 v37, v36;
	v36 =	vmul.f32 v38, v37;
	v0 =	vadd.f32 v19, v0  }
0xf6: {  	v37 =	vld [tilespmem:$0x740];
	v23 =	vsub.f32 v32, v33;
	v1 =	vand.u32 $0x7FFFFFFF, v62  }
0xf7: {  	v39 =	vsub.f32 v35, v36;
	v3 =	vld [tilespmem:$0x4F0];
	v0 =	vadd.f32 v1, v0  }
0xf8: {  	v38 =	vld [tilespmem:$0x540];
	v23 =	vand.u32 $0x7FFFFFFF, v23;
	v2 =	vmul.f32 v5, v2;
	v5 =	vmul.f32 v7, v5  }
0xf9: {  	v63 =	vld [tilespmem:$0x530];
	v4 =	vmul.f32 v6, v4;
	v0 =	vadd.f32 v23, v0  }
0xfa: {  	v6 =	vmul.f32 v10, v6;
	v2 =	vsub.f32 v2, v5;
	v8 =	vld [tilespmem:$0xB10];
	v1 =	vand.u32 $0x7FFFFFFF, v39  }
0xfb: {  	v40 =	vld [tilespmem:$0xB50];
	v46 =	vmul.f32 v9, v12;
	v0 =	vadd.f32 v1, v0  }
0xfc: {  	v41 =	vld [tilespmem:$0x750];
	v44 =	vsub.f32 v4, v6;
	v2 =	vand.u32 $0x7FFFFFFF, v2;
	v3 =	vmul.f32 v3, v9  }
0xfd: {  	v48 =	vmul.f32 v16, v14;
	v11 =	vld [tilespmem:$0x720];
	v0 =	vadd.f32 v2, v0  }
0xfe: {  	v42 =	vld [tilespmem:$0x550];
	v49 =	vmul.f32 v13, v16;
	v3 =	vsub.f32 v46, v3;
	v1 =	vand.u32 $0x7FFFFFFF, v44  }
0xff: {  	v43 =	vld [tilespmem:$0xB60];
	v54 =	vmul.f32 v54, v18;
	v8 =	vmul.f32 v18, v8;
	v0 =	vadd.f32 v1, v0  }
0x100: {  	v45 =	vld [tilespmem:$0x760];
	v52 =	vsub.f32 v48, v49;
	v3 =	vand.u32 $0x7FFFFFFF, v3  }
0x101: {  	v47 =	vld [tilespmem:$0x560];
	v8 =	vsub.f32 v8, v54;
	v0 =	vadd.f32 v3, v0  }
0x102: {  	v50 =	vld [tilespmem:$0xB70];
	v56 =	vmul.f32 v11, v17;
	v11 =	vmul.f32 v58, v11;
	v1 =	vand.u32 $0x7FFFFFFF, v52  }
0x103: {  	v51 =	vld [tilespmem:$0x770];
	v61 =	vmul.f32 v21, v61;
	v0 =	vadd.f32 v1, v0  }
0x104: {  	v53 =	vld [tilespmem:$0x570];
	v15 =	vmul.f32 v63, v21;
	v8 =	vand.u32 $0x7FFFFFFF, v8;
	v59 =	vsub.f32 v56, v11  }
0x105: {  	v57 =	vld [tilespmem:$0x780];
	v24 =	vmul.f32 v38, v37;
	v0 =	vadd.f32 v8, v0  }
0x106: {  	v60 =	vld [tilespmem:$0xB90];
	v63 =	vmul.f32 v37, v34;
	v11 =	vsub.f32 v61, v15;
	v1 =	vand.u32 $0x7FFFFFFF, v59  }
0x107: {  	v32 =	vld [tilespmem:$0x7B0];
	v29 =	vmul.f32 v41, v40;
	v0 =	vadd.f32 v1, v0  }
0x108: {  	v7 =	vmul.f32 v42, v41;
	v55 =	vld [tilespmem:$0xB80];
	v27 =	vsub.f32 v63, v24;
	v11 =	vand.u32 $0x7FFFFFFF, v11  }
0x109: {  	v5 =	vmul.f32 v45, v43;
	v58 =	vld [tilespmem:$0x580];
	v0 =	vadd.f32 v11, v0  }
0x10a: {  	v4 =	vmul.f32 v47, v45;
	v7 =	vsub.f32 v29, v7;
	v62 =	vld [tilespmem:$0x790];
	v1 =	vand.u32 $0x7FFFFFFF, v27  }
0x10b: {  	v36 =	vmul.f32 v51, v50;
	v40 =	vld [tilespmem:$0x5C0];
	v0 =	vadd.f32 v1, v0  }
0x10c: {  	v42 =	vld [tilespmem:$0xBD0];
	v33 =	vsub.f32 v5, v4;
	v35 =	vand.u32 $0x7FFFFFFF, v7;
	v2 =	vmul.f32 v53, v51  }
0x10d: {  	v47 =	vld [tilespmem:$0xBE0];
	v38 =	vmul.f32 v57, v55;
	v0 =	vadd.f32 v35, v0  }
0x10e: {  	v34 =	vld [tilespmem:$0x5B0];
	v12 =	vmul.f32 v58, v57;
	v2 =	vsub.f32 v36, v2;
	v1 =	vand.u32 $0x7FFFFFFF, v33  }
0x10f: {  	v46 =	vld [tilespmem:$0x5D0];
	v43 =	vmul.f32 v25, v62;
	v0 =	vadd.f32 v1, v0  }
0x110: {  	v37 =	vld [tilespmem:$0xBC0];
	v41 =	vsub.f32 v38, v12;
	v2 =	vand.u32 $0x7FFFFFFF, v2;
	v3 =	vmul.f32 v62, v60  }
0x111: {  	v45 =	vmul.f32 v28, v26;
	v39 =	vld [tilespmem:$0x7C0];
	v0 =	vadd.f32 v2, v0  }
0x112: {  	v44 =	vld [tilespmem:$0x7D0];
	v3 =	vsub.f32 v3, v43;
	v8 =	vmul.f32 v30, v28;
	v1 =	vand.u32 $0x7FFFFFFF, v41  }
0x113: {  	v50 =	vmul.f32 v32, v31;
	v49 =	vld [tilespmem:$0x7E0];
	v4 =	vmul.f32 v34, v32;
	v0 =	vadd.f32 v1, v0  }
0x114: {  	v54 =	vld [tilespmem:$0xBF0];
	v3 =	vand.u32 $0x7FFFFFFF, v3;
	v48 =	vsub.f32 v45, v8  }
0x115: {  	v4 =	vsub.f32 v50, v4;
	v51 =	vld [tilespmem:$0x5E0];
	v0 =	vadd.f32 v3, v0  }
0x116: {  	v55 =	vld [tilespmem:$0x7F0];
	v53 =	vmul.f32 v40, v39;
	v52 =	vmul.f32 v39, v37;
	v1 =	vand.u32 $0x7FFFFFFF, v48  }
0x117: {  	v57 =	vld [tilespmem:$0x5F0];
	v5 =	vmul.f32 v44, v42;
	v58 =	vmul.f32 v46, v44;
	v0 =	vadd.f32 v1, v0  }
0x118: {  	v4 =	vand.u32 $0x7FFFFFFF, v4;
	v56 =	vsub.f32 v52, v53  }
0x119: {  	v5 =	vsub.f32 v5, v58;
	v0 =	vadd.f32 v4, v0  }
0x11a: {  	v59 =	vmul.f32 v49, v47;
	v2 =	vmul.f32 v51, v49;
	v1 =	vand.u32 $0x7FFFFFFF, v56  }
0x11b: {  	v61 =	vmul.f32 v55, v54;
	v0 =	vadd.f32 v1, v0  }
0x11c: {  	v62 =	vand.u32 $0x7FFFFFFF, v5;
	v60 =	vsub.f32 v59, v2;
	v3 =	vmul.f32 v57, v55  }
0x11d: {  	v0 =	vadd.f32 v62, v0  }
0x11e: {  	v2 =	vsub.f32 v61, v3;
	v1 =	vand.u32 $0x7FFFFFFF, v60  }
0x11f: {  	v0 =	vadd.f32 v1, v0  }
0x120: {  	v63 =	vand.u32 $0x7FFFFFFF, v2  }
0x121: {  	v0 =	vadd.f32 v63, v0  }
0x122: {  	s30 =	sshll.u32 s3, $0x5;
	s5 =	sadd.s32 $0x800, s4  }
0x123: {  	s31 =	simm.s32 $0xC00;
	s4 =	sadd.s32 s5, s30;
	[tilespmem:$0xC00] =	vst v0  }
0x124: {  	[hbm4b:s4+s2] =	stream.linear.scatter [tilespmem:s31], [sflag:$0x4], $0x100, $0x38;
	[tilespmem:$0x1D80] =	vst v63  }
0x125: {  	s4 =	simm.s32 $0x4  }
0x126: {  	_ =	swait.ge [sflag:s4], $0x100  }
0x127: {  	[sflag:s4] =	ssyncset.done $0x0  }
0x128: {  	[sflag:s4] =	ssyncadd.s32 $0xFFFFFF00  }
0x129: {  	p0 =	sne.s32 s3, $0x0;
	[bflag:$0x0] =	sbarrier.arrive $0xFFFF  }
0x12a: {  	_ =	sfence.sel @p0 $0x180000  }
0x12b: {  	[bflag:$0x0] =	sbarrier.arrive @p0 $0xFFFF  }
0x12c: {  	_ =	strace @p0 $0x90000047  }
0x12d: {  	[bflag:$0x2] =	sbarrier.arrive @p0 $0xFFFF  }
0x12e: {  	_ =	shalt @p0  }
.LBB2_1:
0x12f: {  	s3 =	simm.s32 $0xD00  }
0x130: {  	[tilespmem:s3], [sflag:$0x4] =	stream.linear.gather [hbm4b:s5+s2], $0x1000, $0x38;
	[tilespmem:$0x1D80] =	vst v63  }
0x131: {  	_ =	swait.ge [sflag:s4], $0x1000  }
0x132: {  	[sflag:s4] =	ssyncset.done $0x0  }
0x133: {  	[sflag:s4] =	ssyncadd.s32 $0xFFFFF000  }
0x134: {  	v0 =	vld [tilespmem:$0xD80];
	_ =	sdelay $0x1  }
0x135: {  	v1 =	vld [tilespmem:$0xE80];
	_ =	sdelay $0x1  }
0x136: {  	v2 =	vld [tilespmem:$0xF80]  }
0x137: {  	v0 =	vadd.f32 $0.0e+00, v0  }
0x138: {  	v3 =	vld [tilespmem:$0x1080]  }
0x139: {  	v0 =	vadd.f32 v1, v0  }
0x13a: {  	v24 =	vld [tilespmem:$0x1180]  }
0x13b: {  	v0 =	vadd.f32 v2, v0  }
0x13c: {  	v25 =	vld [tilespmem:$0x1280]  }
0x13d: {  	v4 =	vld [tilespmem:$0xD00];
	v0 =	vadd.f32 v3, v0  }
0x13e: {  	v26 =	vld [tilespmem:$0x1380]  }
0x13f: {  	v5 =	vld [tilespmem:$0xE00];
	v0 =	vadd.f32 v24, v0  }
0x140: {  	v28 =	vld [tilespmem:$0x1480]  }
0x141: {  	v6 =	vld [tilespmem:$0xF00];
	v0 =	vadd.f32 v25, v0  }
0x142: {  	v29 =	vld [tilespmem:$0x1580]  }
0x143: {  	v7 =	vld [tilespmem:$0x1000];
	v27 =	vadd.f32 $0.0e+00, v4;
	v0 =	vadd.f32 v26, v0  }
0x144: {  	v31 =	vld [tilespmem:$0x1680]  }
0x145: {  	v30 =	vld [tilespmem:$0x1100];
	v1 =	vadd.f32 v5, v27;
	v0 =	vadd.f32 v28, v0  }
0x146: {  	v33 =	vld [tilespmem:$0x1780]  }
0x147: {  	v32 =	vld [tilespmem:$0x1200];
	v1 =	vadd.f32 v6, v1;
	v0 =	vadd.f32 v29, v0  }
0x148: {  	v35 =	vld [tilespmem:$0x1880]  }
0x149: {  	v34 =	vld [tilespmem:$0x1300];
	v1 =	vadd.f32 v7, v1;
	v0 =	vadd.f32 v31, v0  }
0x14a: {  	v37 =	vld [tilespmem:$0x1980]  }
0x14b: {  	v36 =	vld [tilespmem:$0x1400];
	v1 =	vadd.f32 v30, v1;
	v0 =	vadd.f32 v33, v0  }
0x14c: {  	v39 =	vld [tilespmem:$0x1A80]  }
0x14d: {  	v38 =	vld [tilespmem:$0x1500];
	v1 =	vadd.f32 v32, v1;
	v0 =	vadd.f32 v35, v0  }
0x14e: {  	v43 =	vimm.s32 $0xEFCDAB89;
	v41 =	vld [tilespmem:$0x1B80]  }
0x14f: {  	v8 =	vimm.s32 $0x67452301;
	v40 =	vld [tilespmem:$0x1600];
	v1 =	vadd.f32 v34, v1;
	v0 =	vadd.f32 v37, v0  }
0x150: {  	v8 =	vunpack.c.l.s4.s8 v8;
	v44 =	vld [tilespmem:$0x1C80];
	v3 =	vunpack.c.l.s4.s8 v43  }
0x151: {  	v1 =	vadd.f32 v36, v1;
	v0 =	vadd.f32 v39, v0  }
0x152: {  	v46 =	vimm.s32 $0xDCFE98BA;
	v45 =	vunpack.c.0.s8.s32 v8;
	v42 =	vld [tilespmem:$0x1700];
	v3 =	vunpack.c.0.s8.s32 v3  }
0x153: {  	v47 =	vimm.s32 $0x54761032;
	v1 =	vadd.f32 v38, v1;
	v0 =	vadd.f32 v41, v0  }
0x154: {  	v49 =	vunpack.c.l.s4.s8 v47;
	v48 =	vld [tilespmem:$0x1800];
	v2 =	vunpack.c.l.s4.s8 v46;
	v3 =	vcombine.low v45, v3  }
0x155: {  	v51 =	vimm.s32 $0xBA98FEDC;
	v1 =	vadd.f32 v40, v1;
	v0 =	vadd.f32 v44, v0  }
0x156: {  	v50 =	vld [tilespmem:$0x1900];
	v4 =	vunpack.c.0.s8.s32 v49;
	v2 =	vunpack.c.0.s8.s32 v2;
	v3 =	vand.u32 $0xF, v3  }
0x157: {  	v9 =	vimm.s32 $0x32107654;
	v1 =	vadd.f32 v42, v1;
	v6 =	vperm.xlane v0, v3  }
0x158: {  	v52 =	vunpack.c.l.s4.s8 v51;
	v53 =	vunpack.c.l.s4.s8 v9;
	v10 =	vld [tilespmem:$0x1A00];
	v2 =	vcombine.low v4, v2  }
0x159: {  	v1 =	vadd.f32 v48, v1;
	v0 =	vadd.f32 v6, v0  }
0x15a: {  	v54 =	vld [tilespmem:$0x1B00];
	v7 =	vunpack.c.0.s8.s32 v53;
	v4 =	vunpack.c.0.s8.s32 v52;
	v2 =	vand.u32 $0xF, v2  }
0x15b: {  	v56 =	vimm.s32 $0xFEDCBA98;
	v1 =	vadd.f32 v50, v1;
	v55 =	vperm.xlane v0, v2  }
0x15c: {  	v58 =	vimm.s32 $0x76543210;
	v8 =	vunpack.c.l.s4.s8 v56;
	v57 =	vld [tilespmem:$0x1C00];
	v4 =	vcombine.low v7, v4  }
0x15d: {  	v59 =	vunpack.c.l.s4.s8 v58;
	v1 =	vadd.f32 v10, v1;
	v0 =	vadd.f32 v55, v0  }
0x15e: {  	v60 =	vunpack.c.0.s8.s32 v8;
	v4 =	vand.u32 $0xF, v4  }
0x15f: {  	v5 =	vunpack.c.0.s8.s32 v59;
	v1 =	vadd.f32 v54, v1;
	v61 =	vperm.xlane v0, v4  }
0x160: {  	v7 =	vand.u32 $0xF, v60  }
0x161: {  	v5 =	vcombine.low v7, v5;
	v1 =	vadd.f32 v57, v1;
	v0 =	vadd.f32 v61, v0;
	_ =	sdelay $0x1  }
0x162: {  	v3 =	vperm.xlane v1, v3;
	v6 =	vperm.xlane v0, v5;
	_ =	sdelay $0x1  }
0x163: {  	v1 =	vadd.f32 v3, v1;
	v0 =	vadd.f32 v6, v0;
	_ =	sdelay $0x1  }
0x164: {  	v2 =	vperm.xlane v1, v2;
	v0 =	vadd.f32 $9.999999970e-07, v0;
	_ =	sdelay $0x1  }
0x165: {  	v1 =	vadd.f32 v2, v1;
	(erf) = vrcp.f32 v0;
	_ =	sdelay $0x1  }
0x166: {  	v62 =	vperm.xlane v1, v4;
	_ =	sdelay $0x1  }
0x167: {  	v0 =	vadd.f32 v62, v1;
	_ =	sdelay $0x1  }
0x168: {  	v1 =	vperm.xlane v0, v5;
	_ =	sdelay $0x1  }
0x169: {  	v0 =	vadd.f32 v1, v0  }
0x16a: {  	v63 =	vpop (erf)  }
0x16b: {  	v0 =	vmul.f32 v63, v0;
	_ =	sdelay $0x1  }
0x16c: {  	s31 =	simm.s32 $0x1D00;
	[tilespmem:$0x1D00] =	vst v0  }
0x16d: {  	[hbm4b:s1+s2] =	stream.linear.scatter [tilespmem:s31], [sflag:$0x4], $0x80, $0x38;
	[tilespmem:$0x1D80] =	vst v63  }
0x16e: {  	_ =	swait.ge [sflag:s4], $0x80  }
0x16f: {  	[sflag:s4] =	ssyncset.done $0x0  }
0x170: {  	[sflag:s4] =	ssyncadd.s32 $0xFFFFFF80  }
0x171: {  	_ =	sfence.sel $0x180000  }
0x172: {  	[bflag:$0x0] =	sbarrier.arrive $0xFFFF  }
0x173: {  	_ =	strace $0x90000047  }
0x174: {  	s0 =	sadd.s32 $0x100000, s0;
	[bflag:$0x2] =	sbarrier.arrive $0xFFFF  }
0x175: {  	[sflag:s0] =	ssyncadd.tile.s32 $0x1;
	_ =	shalt  }
.Lfunc_end2:
_tile_overlayer_lowered:
.L_overlay_start_2:
0x176: {  	(tag) =	ssettag $0x2  }
0x177: {  	s0 =	rddreg [dreg:$0x0];
	s2 =	stileid.u32  }
0x178: {  	s1 =	rddreg [dreg:$0x1];
	p0 =	sne.s32 s2, $0x0  }
0x179: {  	s3 =	rddreg [dreg:$0x2];
	[bflag:$0x3] =	sbarrier.arrive $0xFFFF;
	s2 =	simm.s32 @!p0 $0x1C04  }
0x17a: {  	[timem:s3], [sflag:s2] =	dma.local @!p0 [hbm:s0], s1  }
0x17b: {  	s0 =	simm.s32 @!p0 $0x4  }
0x17c: {  	_ =	swait.ge @!p0 [sflag:s0], s1  }
0x17d: {  	s1 =	ssub.s32 @!p0 $0x0, s1;
	[sflag:s0] =	ssyncset.done @!p0 $0x0  }
0x17e: {  	[sflag:s0] =	ssyncadd.s32 @!p0 s1  }
0x17f: {  	[bflag:$0x3] =	sbarrier.arrive $0xFFFF  }
0x180: {  	_ =	shalt  }

</sc_bundles>
